<compile_context>
chip_gen: v7x
topology: tpu7x:2x2x1
jax: 0.10.2.dev20260603
libtpu: 0.0.44.dev20260713+nightly
codegen_flags: <defaults>
</compile_context>

<pallas_src>
import functools

import jax
import jax.numpy as jnp
from jax.experimental import pallas as pl
from jax.experimental.pallas import tpu as pltpu
from jax.experimental.pallas import tpu_sc as plsc

E = 64
K = 2
D = 1024
F = 768
T = 128
A = T * K
R = 8
NT = (A - E) // R + E
PR = NT * R
SR = 128
SRQ = PR * (D // SR) // SR


def _router_kernel(x_ref, rw_ref, ct_ref, te_ref, ntot_ref, src_ref):
    x = x_ref[...]
    logits = jnp.dot(x, rw_ref[...], preferred_element_type=jnp.float32)
    probs = jax.nn.softmax(logits, axis=-1)

    col = jax.lax.broadcasted_iota(jnp.int32, (T, E), 1)
    i1 = jnp.argmax(probs, axis=1).reshape(T, 1)
    oh1 = (col == i1)
    m1 = jnp.sum(jnp.where(oh1, probs, 0.0), axis=1).reshape(T, 1)
    probs2 = jnp.where(oh1, -1.0, probs)
    i2 = jnp.argmax(probs2, axis=1).reshape(T, 1)
    oh2 = (col == i2)
    m2 = jnp.sum(jnp.where(oh2, probs2, 0.0), axis=1).reshape(T, 1)
    denom = m1 + m2
    w1 = m1 / denom
    w2 = m2 / denom

    e_a = jnp.concatenate([i1, i2], axis=0)
    w_a = jnp.concatenate([w1, w2], axis=0)

    colA = jax.lax.broadcasted_iota(jnp.int32, (A, E), 1)
    Aoh = (colA == e_a).astype(jnp.float32)

    ri = jax.lax.broadcasted_iota(jnp.int32, (A, A), 0)
    rj = jax.lax.broadcasted_iota(jnp.int32, (A, A), 1)
    L = (rj < ri).astype(jnp.float32)
    pref = jnp.dot(L, Aoh, preferred_element_type=jnp.float32)
    rank = jnp.sum(pref * Aoh, axis=1).reshape(A, 1)

    counts = jnp.sum(Aoh, axis=0).reshape(1, E)
    ntiles = jnp.floor((counts + (R - 1)) * (1.0 / R))
    ui = jax.lax.broadcasted_iota(jnp.int32, (E, E), 0)
    uj = jax.lax.broadcasted_iota(jnp.int32, (E, E), 1)
    U = (ui < uj).astype(jnp.float32)
    first_tile = jnp.dot(ntiles, U, preferred_element_type=jnp.float32)
    cum_incl = first_tile + ntiles

    ft_a = jnp.dot(Aoh, first_tile.reshape(E, 1),
                   preferred_element_type=jnp.float32)
    pos = ft_a * R + rank

    t8 = jax.lax.broadcasted_iota(jnp.int32, (E, NT), 1)
    cmp = (cum_incl.reshape(E, 1).astype(jnp.int32) <= t8).astype(jnp.int32)
    te = jnp.minimum(jnp.sum(cmp, axis=0).reshape(1, NT), E - 1)
    te_ref[...] = te
    ntot_ref[...] = cum_incl[:, E - 1:E].astype(jnp.int32)

    prow = jax.lax.broadcasted_iota(jnp.int32, (PR, A), 0)
    pos_i = pos.astype(jnp.int32)
    S = (prow == pos_i.reshape(1, A)).astype(jnp.float32)

    W2 = S * w_a.reshape(1, A)
    ct_ref[...] = W2[:, :T] + W2[:, T:]

    posr = pos_i.reshape(1, A)
    tokr = jax.lax.broadcasted_iota(jnp.int32, (1, A), 1) % T
    i44 = jax.lax.broadcasted_iota(jnp.int32, (SRQ, A), 0)
    M1 = jnp.where(i44 == posr // (PR // SRQ),
                   (tokr + 1).astype(jnp.float32), 0.0)
    jA = jax.lax.broadcasted_iota(jnp.int32, (A, SR), 1)
    M2 = (jA // 8 == pos_i % (PR // SRQ)).astype(jnp.float32)
    srcf8 = jnp.dot(M1, M2, preferred_element_type=jnp.float32)
    r_of = (jax.lax.broadcasted_iota(jnp.int32, (SRQ, SR), 1) % 8)
    src8 = jnp.where(srcf8 == 0.0, float(T * 8), (srcf8 - 1.0) * 8.0)
    src_ref[...] = src8.astype(jnp.int32) + r_of


def _moe_kernel(te_ref, ntot_ref, px_ref, g_ref, u_ref, d_ref, ct_ref, o_ref):
    t = pl.program_id(0)

    @pl.when(t == 0)
    def _init():
        o_ref[...] = jnp.zeros_like(o_ref)

    @pl.when(t < ntot_ref[0])
    def _compute():
        xt = px_ref[...]
        g = jnp.dot(xt, g_ref[0], preferred_element_type=jnp.float32)
        u = jnp.dot(xt, u_ref[0], preferred_element_type=jnp.float32)
        h = (g * jax.lax.logistic(g)) * u
        y = jnp.dot(h, d_ref[0], preferred_element_type=jnp.float32)
        ct = ct_ref[...]
        o_ref[...] += jax.lax.dot_general(
            ct, y, (((0,), (0,)), ((), ())),
            preferred_element_type=jnp.float32)


def _sc_gather(x_aug, src8):
    x8 = x_aug.reshape((T + 8) * (D // SR), SR)

    @pl.kernel(
        out_type=jax.ShapeDtypeStruct((PR * (D // SR), SR), jnp.float32),
        mesh=plsc.VectorSubcoreMesh(core_axis_name="core",
                                    subcore_axis_name="subcore"),
    )
    def gather_kernel(x_hbm, i_hbm, o_hbm):
        def body(i_vmem, o_vmem):
            pltpu.sync_copy(x_hbm.at[i_vmem.at[0]], o_vmem)

        pltpu.emit_pipeline(
            body,
            grid=(SRQ,),
            in_specs=[pl.BlockSpec((1, SR), index_map=lambda i: (i, 0))],
            out_specs=[pl.BlockSpec((SR, SR), index_map=lambda i: (i, 0))],
            core_axis_name="subcore",
            dimension_semantics=(pltpu.PARALLEL,),
        )(i_hbm, o_hbm)

    return gather_kernel(x8, src8).reshape(PR, D)


@functools.partial(jax.jit, static_argnames=())
def kernel(hidden_states, router_weight, gate_proj, up_proj, down_proj):
    b, s, d = hidden_states.shape
    x = hidden_states.reshape(T, D)

    ct, te, ntot, src = pl.pallas_call(
        _router_kernel,
        out_shape=[
            jax.ShapeDtypeStruct((PR, T), jnp.float32),
            jax.ShapeDtypeStruct((1, NT), jnp.int32),
            jax.ShapeDtypeStruct((1, 1), jnp.int32),
            jax.ShapeDtypeStruct((SRQ, SR), jnp.int32),
        ],
    )(x, router_weight)

    x_aug = jnp.concatenate([x, jnp.zeros((8, D), jnp.float32)], axis=0)
    px = _sc_gather(x_aug, src)

    out = pl.pallas_call(
        _moe_kernel,
        grid_spec=pltpu.PrefetchScalarGridSpec(
            num_scalar_prefetch=2,
            grid=(NT,),
            in_specs=[
                pl.BlockSpec((R, D), lambda t, te, nt: (t, 0)),
                pl.BlockSpec((1, D, F), lambda t, te, nt: (te[t], 0, 0)),
                pl.BlockSpec((1, D, F), lambda t, te, nt: (te[t], 0, 0)),
                pl.BlockSpec((1, F, D), lambda t, te, nt: (te[t], 0, 0)),
                pl.BlockSpec((R, T), lambda t, te, nt: (t, 0)),
            ],
            out_specs=pl.BlockSpec((T, D), lambda t, te, nt: (0, 0)),
        ),
        out_shape=jax.ShapeDtypeStruct((T, D), jnp.float32),
    )(te.reshape(NT), ntot.reshape(1), px, gate_proj, up_proj, down_proj, ct)

    return out.reshape(b, s, d)

# --- scband reference (transcript-rebuilt; emitter-appended) ---
"""Pipeline reference for scband-qwen3-moe-sparse-moe-block-32495722561889 (READ-ONLY COPY).

The authoritative reference and input builder live on the scoring server;
editing this copy changes nothing except your own understanding.
"""

import jax, jax.numpy as jnp
import numpy as np

NUM_EXPERTS = 64
TOP_K = 2
HIDDEN = 1024
FF = 768
B = 32
S = 4


def setup_inputs(seed: int = 0) -> dict:
    key = jax.random.key(seed)
    ks = jax.random.split(key, 5)
    hidden_states = jax.random.normal(ks[0], (B, S, HIDDEN), dtype=jnp.float32)
    router_weight = jax.random.normal(ks[1], (HIDDEN, NUM_EXPERTS), dtype=jnp.float32) * 0.02
    gate_proj = jax.random.normal(ks[2], (NUM_EXPERTS, HIDDEN, FF), dtype=jnp.float32) * 0.02
    up_proj = jax.random.normal(ks[3], (NUM_EXPERTS, HIDDEN, FF), dtype=jnp.float32) * 0.02
    down_proj = jax.random.normal(ks[4], (NUM_EXPERTS, FF, HIDDEN), dtype=jnp.float32) * 0.02
    return {
        "hidden_states": hidden_states,
        "router_weight": router_weight,
        "gate_proj": gate_proj,
        "up_proj": up_proj,
        "down_proj": down_proj,
    }


def reference(hidden_states, router_weight, gate_proj, up_proj, down_proj):
    b, s, d = hidden_states.shape
    x = hidden_states.reshape(-1, d)  # [T, D]
    # Router: softmax over expert logits, then top-k selection
    router_logits = x @ router_weight  # [T, E]
    routing_probs = jax.nn.softmax(router_logits.astype(jnp.float32), axis=-1)
    top_w, top_i = jax.lax.top_k(routing_probs, TOP_K)  # [T, K]
    # norm_topk_prob=True: renormalize the selected top-k weights
    top_w = top_w / jnp.sum(top_w, axis=-1, keepdims=True)

    def body(acc, xs):
        e, wg, wu, wd = xs
        # per-token combine weight for this expert (0 if not routed here)
        w_e = jnp.sum(jnp.where(top_i == e, top_w, 0.0), axis=-1)  # [T]
        h = jax.nn.silu(x @ wg) * (x @ wu)  # SwiGLU expert MLP
        y = h @ wd
        return acc + w_e[:, None] * y, None

    init = jnp.zeros_like(x)
    out, _ = jax.lax.scan(
        body,
        init,
        (jnp.arange(NUM_EXPERTS), gate_proj, up_proj, down_proj),
    )
    return out.reshape(b, s, d)

if __name__ == "__main__":
    import jax
    _d = setup_inputs()
    print(jax.jit(kernel)(*tuple(_d.values())))

</pallas_src>

<mosaic_0001>
#map = affine_map<(d0, d1) -> (0, 0)>
module attributes {stable_mosaic.version = 14 : i64} {
  func.func @gather_kernel(%arg0: i32, %arg1: i32, %arg2: memref<1088x128xf32, #tpu.memory_space<hbm>>, %arg3: memref<44x128xi32, #tpu.memory_space<hbm>>, %arg4: memref<5632x128xf32, #tpu.memory_space<hbm>>) attributes {dimension_semantics = [#tpu.dimension_semantics<core_parallel>, #tpu.dimension_semantics<subcore_parallel>], iteration_bounds = array<i64: 2, 16>, scalar_prefetch = 0 : i64, scratch_operands = 0 : i64, tpu.core_type = #tpu.core_type<sc_vector_subcore>, window_params = [{transform_indices = #map}, {transform_indices = #map}, {transform_indices = #map}]} {
    %lt3A = arith.constant 12 : i32
    %lt3A_0 = arith.cmpi slt, %arg1, %lt3A : i32
    %jit3A = arith.constant 3 : i32
    %jit3A_1 = arith.constant 2 : i32
    %select_n3A = arith.select %lt3A_0, %jit3A, %jit3A_1 : i32
    %lt3A_2 = arith.constant 12 : i32
    %lt3A_3 = arith.cmpi slt, %arg1, %lt3A_2 : i32
    %mul3A = arith.muli %arg1, %select_n3A : i32
    %mul3A_4 = arith.constant 2 : i32
    %mul3A_5 = arith.muli %arg1, %mul3A_4 : i32
    %add3A = arith.constant 12 : i32
    %add3A_6 = arith.addi %mul3A_5, %add3A : i32
    %select_n3A_7 = arith.select %lt3A_3, %mul3A, %add3A_6 : i32
    %mul3A_8 = arith.constant 1 : i32
    %mul3A_9 = arith.muli %mul3A_8, %select_n3A : i32
    "tpu.region"() ({
      %run_scoped3A = memref.alloca() : memref<2x1x128xi32, #tpu.memory_space<vmem>>
      %run_scoped3A_10 = tpu.sem_alloc : memref<2x!tpu.dma_semaphore, #tpu.memory_space<semaphore_mem>>
      %run_scoped3A_11 = memref.alloca() : memref<2x128x128xf32, #tpu.memory_space<vmem>>
      %run_scoped3A_12 = tpu.sem_alloc : memref<2x!tpu.dma_semaphore, #tpu.memory_space<semaphore_mem>>
      %gt3A = arith.constant 0 : i32
      %gt3A_13 = arith.cmpi sgt, %mul3A_9, %gt3A : i32
      %convert_element_type3A = arith.extui %gt3A_13 : i1 to i32
      %cond3A = arith.constant 0 : i32
      %cond3A_14 = arith.cmpi ne, %convert_element_type3A, %cond3A : i32
      scf.if %cond3A_14 {
        %mul3A_15 = arith.constant 1 : i32
        %mul3A_16 = arith.muli %mul3A_15, %select_n3A : i32
        %sub3A = arith.constant 1 : i32
        %sub3A_17 = arith.subi %mul3A_16, %sub3A : i32
        %eq3A = arith.constant 0 : i32
        %eq3A_18 = arith.cmpi eq, %sub3A_17, %eq3A : i32
        %add3A_19 = arith.constant 0 : i32
        %add3A_20 = arith.addi %add3A_19, %select_n3A_7 : i32
        %select_n3A_21 = arith.constant true
        %select_n3A_22 = arith.constant 0 : i32
        %select_n3A_23 = arith.constant -1 : i32
        %select_n3A_24 = arith.select %select_n3A_21, %select_n3A_23, %select_n3A_22 : i32
        %eq3A_25 = arith.constant -1 : i32
        %eq3A_26 = arith.cmpi eq, %select_n3A_24, %eq3A_25 : i32
        %sub3A_27 = arith.constant 1 : i32
        %sub3A_28 = arith.subi %select_n3A, %sub3A_27 : i32
        %select_n3A_29 = arith.select %eq3A_26, %sub3A_28, %select_n3A_24 : i32
        %add3A_30 = arith.addi %select_n3A_29, %select_n3A_7 : i32
        %select_n3A_31 = arith.constant true
        %select_n3A_32 = arith.constant 0 : i32
        %select_n3A_33 = arith.constant 1 : i32
        %select_n3A_34 = arith.select %select_n3A_31, %select_n3A_33, %select_n3A_32 : i32
        %eq3A_35 = arith.cmpi eq, %select_n3A_34, %select_n3A : i32
        %select_n3A_36 = arith.constant 0 : i32
        %select_n3A_37 = arith.select %eq3A_35, %select_n3A_36, %select_n3A_34 : i32
        %add3A_38 = arith.addi %select_n3A_37, %select_n3A_7 : i32
        %add3A_39 = arith.constant 1 : i32
        %add3A_40 = arith.addi %select_n3A_37, %add3A_39 : i32
        %select_n3A_41 = arith.constant true
        %select_n3A_42 = arith.select %select_n3A_41, %add3A_40, %select_n3A_37 : i32
        %eq3A_43 = arith.cmpi eq, %select_n3A_42, %select_n3A : i32
        %select_n3A_44 = arith.constant 0 : i32
        %select_n3A_45 = arith.select %eq3A_43, %select_n3A_44, %select_n3A_42 : i32
        %add3A_46 = arith.addi %select_n3A_45, %select_n3A_7 : i32
        "tpu.trace_start"() <{level = 10 : i32, message = "ep_initialize_0"}> : () -> ()
        %rem3A = arith.constant 0 : i32
        %rem3A_47 = arith.constant 2 : i32
        %rem3A_48 = arith.remui %rem3A, %rem3A_47 : i32
        %mul3A_49 = arith.constant 1 : i32
        %mul3A_50 = arith.muli %mul3A_49, %add3A_20 : i32
        %dma_start3A = arith.constant 0 : i32
        %dma_start3A_51 = arith.constant 0 : i32
        %dma_start3A_52 = tpu.memref_slice %run_scoped3A[%rem3A_48, %dma_start3A, %dma_start3A_51] : memref<2x1x128xi32, #tpu.memory_space<vmem>> -> memref<1x1x128xi32, #tpu.memory_space<vmem>>
        %dma_start3A_53 = tpu.memref_squeeze %dma_start3A_52 : memref<1x1x128xi32, #tpu.memory_space<vmem>> -> memref<1x128xi32, #tpu.memory_space<vmem>>
        %dma_start3A_54 = arith.constant 0 : i32
        %dma_start3A_55 = tpu.memref_slice %arg3[%mul3A_50, %dma_start3A_54] : memref<44x128xi32, #tpu.memory_space<hbm>> -> memref<1x128xi32, #tpu.memory_space<hbm>>
        %dma_start3A_56 = tpu.memref_slice %run_scoped3A_10[%rem3A_48] : memref<2x!tpu.dma_semaphore, #tpu.memory_space<semaphore_mem>> -> memref<1x!tpu.dma_semaphore, #tpu.memory_space<semaphore_mem>>
        %dma_start3A_57 = tpu.memref_squeeze %dma_start3A_56 : memref<1x!tpu.dma_semaphore, #tpu.memory_space<semaphore_mem>> -> memref<!tpu.dma_semaphore, #tpu.memory_space<semaphore_mem>>
        %dma_start3A_58 = arith.constant 0 : i32
        %dma_start3A_59 = arith.constant 0 : i32
        %dma_start3A_60 = tpu.memref_slice %run_scoped3A[%rem3A_48, %dma_start3A_58, %dma_start3A_59] : memref<2x1x128xi32, #tpu.memory_space<vmem>> -> memref<1x1x128xi32, #tpu.memory_space<vmem>>
        %dma_start3A_61 = tpu.memref_squeeze %dma_start3A_60 : memref<1x1x128xi32, #tpu.memory_space<vmem>> -> memref<1x128xi32, #tpu.memory_space<vmem>>
        %dma_start3A_62 = arith.constant 0 : i32
        %dma_start3A_63 = tpu.memref_slice %arg3[%mul3A_50, %dma_start3A_62] : memref<44x128xi32, #tpu.memory_space<hbm>> -> memref<1x128xi32, #tpu.memory_space<hbm>>
        tpu.enqueue_dma source(%dma_start3A_63 : memref<1x128xi32, #tpu.memory_space<hbm>>) target(%dma_start3A_61 : memref<1x128xi32, #tpu.memory_space<vmem>>) target_semaphore(%dma_start3A_57 : memref<!tpu.dma_semaphore, #tpu.memory_space<semaphore_mem>>)
        %add3A_64 = arith.constant 0 : i32
        %add3A_65 = arith.constant 1 : i32
        %add3A_66 = arith.addi %add3A_64, %add3A_65 : i32
        %select_n3A_67 = arith.constant true
        %select_n3A_68 = arith.constant 0 : i32
        %select_n3A_69 = arith.select %select_n3A_67, %add3A_66, %select_n3A_68 : i32
        %while3A = arith.constant 0 : i32
        %while3A_70 = arith.constant 0 : i32
        %while3A_71 = arith.constant 0 : i32
        %while3A_72 = arith.constant 0 : i32
        %while3A_73 = arith.constant 0 : i32
        "tpu.trace_stop"() : () -> ()
        %while3A_74 = arith.subi %mul3A_9, %while3A : i32
        %while3A_75 = arith.addi %while3A, %while3A_74 : i32
        %while3A_76 = arith.constant 1 : i32
        %while3A_77 = arith.divsi %while3A_74, %while3A_76 : i32
        %while3A_78 = arith.muli %while3A_77, %while3A_76 : i32
        %while3A_79 = arith.addi %while3A, %while3A_78 : i32
        %while3A_80 = arith.constant 1 : i32
        %while3A_81:5 = scf.for %while3A_135 = %while3A to %while3A_79 step %while3A_80 iter_args(%while3A_136 = %select_n3A_69, %while3A_137 = %while3A_70, %while3A_138 = %while3A_71, %while3A_139 = %while3A_72, %while3A_140 = %while3A_73) -> (i32, i32, i32, i32, i32)  : i32 {
          %mul3A_141 = arith.constant 1 : i32
          %mul3A_142 = arith.muli %mul3A_141, %select_n3A : i32
          %eq3A_143 = arith.constant 0 : i32
          %eq3A_144 = arith.cmpi eq, %while3A_135, %eq3A_143 : i32
          %sub3A_145 = arith.constant 1 : i32
          %sub3A_146 = arith.subi %mul3A_142, %sub3A_145 : i32
          %eq3A_147 = arith.cmpi eq, %while3A_135, %sub3A_146 : i32
          %add3A_148 = arith.addi %while3A_140, %select_n3A_7 : i32
          %sub3A_149 = arith.constant 1 : i32
          %sub3A_150 = arith.subi %while3A_140, %sub3A_149 : i32
          %select_n3A_151 = arith.constant true
          %select_n3A_152 = arith.select %select_n3A_151, %sub3A_150, %while3A_140 : i32
          %eq3A_153 = arith.constant -1 : i32
          %eq3A_154 = arith.cmpi eq, %select_n3A_152, %eq3A_153 : i32
          %sub3A_155 = arith.constant 1 : i32
          %sub3A_156 = arith.subi %select_n3A, %sub3A_155 : i32
          %select_n3A_157 = arith.select %eq3A_154, %sub3A_156, %select_n3A_152 : i32
          %add3A_158 = arith.addi %select_n3A_157, %select_n3A_7 : i32
          %add3A_159 = arith.constant 1 : i32
          %add3A_160 = arith.addi %while3A_140, %add3A_159 : i32
          %select_n3A_161 = arith.constant true
          %select_n3A_162 = arith.select %select_n3A_161, %add3A_160, %while3A_140 : i32
          %eq3A_163 = arith.cmpi eq, %select_n3A_162, %select_n3A : i32
          %select_n3A_164 = arith.constant 0 : i32
          %select_n3A_165 = arith.select %eq3A_163, %select_n3A_164, %select_n3A_162 : i32
          %add3A_166 = arith.addi %select_n3A_165, %select_n3A_7 : i32
          %add3A_167 = arith.constant 1 : i32
          %add3A_168 = arith.addi %select_n3A_165, %add3A_167 : i32
          %select_n3A_169 = arith.constant true
          %select_n3A_170 = arith.select %select_n3A_169, %add3A_168, %select_n3A_165 : i32
          %eq3A_171 = arith.cmpi eq, %select_n3A_170, %select_n3A : i32
          %select_n3A_172 = arith.constant 0 : i32
          %select_n3A_173 = arith.select %eq3A_171, %select_n3A_172, %select_n3A_170 : i32
          %add3A_174 = arith.addi %select_n3A_173, %select_n3A_7 : i32
          %ne3A = arith.cmpi ne, %add3A_148, %add3A_166 : i32
          %or3A = arith.constant false
          %or3A_175 = arith.ori %or3A, %ne3A : i1
          %or3A_176 = arith.constant false
          %or3A_177 = arith.ori %or3A_175, %or3A_176 : i1
          %sub3A_178 = arith.constant 2 : i32
          %sub3A_179 = arith.subi %mul3A_142, %sub3A_178 : i32
          %add3A_180 = arith.constant 1 : i32
          %add3A_181 = arith.addi %sub3A_179, %add3A_180 : i32
          %ge3A = arith.cmpi sge, %while3A_135, %add3A_181 : i32
          %not3A = arith.constant true
          %not3A_182 = arith.xori %ge3A, %not3A : i1
          %and3A = arith.andi %or3A_177, %not3A_182 : i1
          %convert_element_type3A_183 = arith.extui %and3A : i1 to i32
          %cond3A_184 = arith.constant 0 : i32
          %cond3A_185 = arith.cmpi ne, %convert_element_type3A_183, %cond3A_184 : i32
          scf.if %cond3A_185 {
            "tpu.trace_start"() <{level = 10 : i32, message = "ep_copy_in"}> : () -> ()
            %rem3A_297 = arith.constant 2 : i32
            %rem3A_298 = arith.remui %while3A_136, %rem3A_297 : i32
            %mul3A_299 = arith.constant 1 : i32
            %mul3A_300 = arith.muli %mul3A_299, %add3A_166 : i32
            %dma_start3A_301 = arith.constant 0 : i32
            %dma_start3A_302 = arith.constant 0 : i32
            %dma_start3A_303 = tpu.memref_slice %run_scoped3A[%rem3A_298, %dma_start3A_301, %dma_start3A_302] : memref<2x1x128xi32, #tpu.memory_space<vmem>> -> memref<1x1x128xi32, #tpu.memory_space<vmem>>
            %dma_start3A_304 = tpu.memref_squeeze %dma_start3A_303 : memref<1x1x128xi32, #tpu.memory_space<vmem>> -> memref<1x128xi32, #tpu.memory_space<vmem>>
            %dma_start3A_305 = arith.constant 0 : i32
            %dma_start3A_306 = tpu.memref_slice %arg3[%mul3A_300, %dma_start3A_305] : memref<44x128xi32, #tpu.memory_space<hbm>> -> memref<1x128xi32, #tpu.memory_space<hbm>>
            %dma_start3A_307 = tpu.memref_slice %run_scoped3A_10[%rem3A_298] : memref<2x!tpu.dma_semaphore, #tpu.memory_space<semaphore_mem>> -> memref<1x!tpu.dma_semaphore, #tpu.memory_space<semaphore_mem>>
            %dma_start3A_308 = tpu.memref_squeeze %dma_start3A_307 : memref<1x!tpu.dma_semaphore, #tpu.memory_space<semaphore_mem>> -> memref<!tpu.dma_semaphore, #tpu.memory_space<semaphore_mem>>
            %dma_start3A_309 = arith.constant 0 : i32
            %dma_start3A_310 = arith.constant 0 : i32
            %dma_start3A_311 = tpu.memref_slice %run_scoped3A[%rem3A_298, %dma_start3A_309, %dma_start3A_310] : memref<2x1x128xi32, #tpu.memory_space<vmem>> -> memref<1x1x128xi32, #tpu.memory_space<vmem>>
            %dma_start3A_312 = tpu.memref_squeeze %dma_start3A_311 : memref<1x1x128xi32, #tpu.memory_space<vmem>> -> memref<1x128xi32, #tpu.memory_space<vmem>>
            %dma_start3A_313 = arith.constant 0 : i32
            %dma_start3A_314 = tpu.memref_slice %arg3[%mul3A_300, %dma_start3A_313] : memref<44x128xi32, #tpu.memory_space<hbm>> -> memref<1x128xi32, #tpu.memory_space<hbm>>
            tpu.enqueue_dma source(%dma_start3A_314 : memref<1x128xi32, #tpu.memory_space<hbm>>) target(%dma_start3A_312 : memref<1x128xi32, #tpu.memory_space<vmem>>) target_semaphore(%dma_start3A_308 : memref<!tpu.dma_semaphore, #tpu.memory_space<semaphore_mem>>)
            "tpu.trace_stop"() : () -> ()
          } else {
          }
          %and3A_186 = arith.constant true
          %and3A_187 = arith.andi %and3A, %and3A_186 : i1
          %add3A_188 = arith.constant 1 : i32
          %add3A_189 = arith.addi %while3A_136, %add3A_188 : i32
          %select_n3A_190 = arith.select %and3A_187, %add3A_189, %while3A_136 : i32
          %ne3A_191 = arith.cmpi ne, %add3A_148, %add3A_166 : i32
          %or3A_192 = arith.constant false
          %or3A_193 = arith.ori %or3A_192, %ne3A_191 : i1
          %or3A_194 = arith.constant false
          %or3A_195 = arith.ori %or3A_193, %or3A_194 : i1
          %sub3A_196 = arith.constant 2 : i32
          %sub3A_197 = arith.subi %mul3A_142, %sub3A_196 : i32
          %add3A_198 = arith.constant 1 : i32
          %add3A_199 = arith.addi %sub3A_197, %add3A_198 : i32
          %ge3A_200 = arith.cmpi sge, %while3A_135, %add3A_199 : i32
          %not3A_201 = arith.constant true
          %not3A_202 = arith.xori %ge3A_200, %not3A_201 : i1
          %and3A_203 = arith.andi %or3A_195, %not3A_202 : i1
          %ne3A_204 = arith.cmpi ne, %add3A_148, %add3A_158 : i32
          %or3A_205 = arith.constant false
          %or3A_206 = arith.ori %or3A_205, %ne3A_204 : i1
          %or3A_207 = arith.constant false
          %or3A_208 = arith.ori %or3A_206, %or3A_207 : i1
          %or3A_209 = arith.ori %or3A_208, %eq3A_144 : i1
          %convert_element_type3A_210 = arith.extui %or3A_209 : i1 to i32
          %cond3A_211 = arith.constant 0 : i32
          %cond3A_212 = arith.cmpi ne, %convert_element_type3A_210, %cond3A_211 : i32
          scf.if %cond3A_212 {
            "tpu.trace_start"() <{level = 10 : i32, message = "ep_wait_in"}> : () -> ()
            %mul3A_297 = arith.constant 1 : i32
            %mul3A_298 = arith.muli %mul3A_297, %add3A_148 : i32
            %rem3A_299 = arith.constant 2 : i32
            %rem3A_300 = arith.remui %while3A_137, %rem3A_299 : i32
            %dma_wait3A = arith.constant 0 : i32
            %dma_wait3A_301 = arith.constant 0 : i32
            %dma_wait3A_302 = tpu.memref_slice %run_scoped3A[%rem3A_300, %dma_wait3A, %dma_wait3A_301] : memref<2x1x128xi32, #tpu.memory_space<vmem>> -> memref<1x1x128xi32, #tpu.memory_space<vmem>>
            %dma_wait3A_303 = tpu.memref_squeeze %dma_wait3A_302 : memref<1x1x128xi32, #tpu.memory_space<vmem>> -> memref<1x128xi32, #tpu.memory_space<vmem>>
            %dma_wait3A_304 = arith.constant 0 : i32
            %dma_wait3A_305 = tpu.memref_slice %arg3[%mul3A_298, %dma_wait3A_304] : memref<44x128xi32, #tpu.memory_space<hbm>> -> memref<1x128xi32, #tpu.memory_space<hbm>>
            %dma_wait3A_306 = tpu.memref_slice %run_scoped3A_10[%rem3A_300] : memref<2x!tpu.dma_semaphore, #tpu.memory_space<semaphore_mem>> -> memref<1x!tpu.dma_semaphore, #tpu.memory_space<semaphore_mem>>
            %dma_wait3A_307 = tpu.memref_squeeze %dma_wait3A_306 : memref<1x!tpu.dma_semaphore, #tpu.memory_space<semaphore_mem>> -> memref<!tpu.dma_semaphore, #tpu.memory_space<semaphore_mem>>
            %dma_wait3A_308 = arith.constant 0 : i32
            %dma_wait3A_309 = arith.constant 0 : i32
            %dma_wait3A_310 = tpu.memref_slice %run_scoped3A[%rem3A_300, %dma_wait3A_308, %dma_wait3A_309] : memref<2x1x128xi32, #tpu.memory_space<vmem>> -> memref<1x1x128xi32, #tpu.memory_space<vmem>>
            %dma_wait3A_311 = tpu.memref_squeeze %dma_wait3A_310 : memref<1x1x128xi32, #tpu.memory_space<vmem>> -> memref<1x128xi32, #tpu.memory_space<vmem>>
            %dma_wait3A_312 = arith.constant 0 : i32
            %dma_wait3A_313 = tpu.memref_slice %arg3[%mul3A_298, %dma_wait3A_312] : memref<44x128xi32, #tpu.memory_space<hbm>> -> memref<1x128xi32, #tpu.memory_space<hbm>>
            tpu.wait_dma2 semaphore(%dma_wait3A_307 : memref<!tpu.dma_semaphore, #tpu.memory_space<semaphore_mem>>) src(%dma_wait3A_313 : memref<1x128xi32, #tpu.memory_space<hbm>>) dst(%dma_wait3A_311 : memref<1x128xi32, #tpu.memory_space<vmem>>)
            "tpu.trace_stop"() : () -> ()
          } else {
          }
          %ne3A_213 = arith.cmpi ne, %add3A_148, %add3A_158 : i32
          %or3A_214 = arith.constant false
          %or3A_215 = arith.ori %or3A_214, %ne3A_213 : i1
          %or3A_216 = arith.constant false
          %or3A_217 = arith.ori %or3A_215, %or3A_216 : i1
          %or3A_218 = arith.ori %or3A_217, %eq3A_144 : i1
          %convert_element_type3A_219 = arith.extui %or3A_218 : i1 to i32
          %cond3A_220 = arith.constant 0 : i32
          %cond3A_221 = arith.cmpi ne, %convert_element_type3A_219, %cond3A_220 : i32
          scf.if %cond3A_221 {
          } else {
          }
          %rem3A_222 = arith.constant 2 : i32
          %rem3A_223 = arith.remui %while3A_137, %rem3A_222 : i32
          %rem3A_224 = arith.constant 2 : i32
          %rem3A_225 = arith.remui %while3A_138, %rem3A_224 : i32
          %run_scoped3A_226 = arith.constant 0 : i32
          "tpu.trace_start"() <{level = 10 : i32, message = "ep_run_kernel"}> : () -> ()
          "tpu.region"() ({
            %run_scoped3A_297 = tpu.sem_alloc : memref<!tpu.dma_semaphore, #tpu.memory_space<semaphore_mem>>
            %dma_start3A_298 = arith.constant 0 : i32
            %dma_start3A_299 = arith.constant 0 : i32
            %dma_start3A_300 = tpu.memref_slice %run_scoped3A_11[%rem3A_225, %dma_start3A_298, %dma_start3A_299] : memref<2x128x128xf32, #tpu.memory_space<vmem>> -> memref<1x128x128xf32, #tpu.memory_space<vmem>>
            %dma_start3A_301 = tpu.memref_squeeze %dma_start3A_300 : memref<1x128x128xf32, #tpu.memory_space<vmem>> -> memref<128x128xf32, #tpu.memory_space<vmem>>
            %dma_start3A_302 = arith.constant 0 : i32
            %dma_start3A_303 = arith.constant 0 : i32
            %dma_start3A_304 = tpu.memref_slice %run_scoped3A[%rem3A_223, %dma_start3A_302, %dma_start3A_303] : memref<2x1x128xi32, #tpu.memory_space<vmem>> -> memref<1x1x128xi32, #tpu.memory_space<vmem>>
            %dma_start3A_305 = tpu.memref_squeeze %dma_start3A_304 : memref<1x1x128xi32, #tpu.memory_space<vmem>> -> memref<1x128xi32, #tpu.memory_space<vmem>>
            %dma_start3A_306 = arith.constant 0 : i32
            %dma_start3A_307 = tpu.memref_slice %dma_start3A_305[%run_scoped3A_226, %dma_start3A_306] : memref<1x128xi32, #tpu.memory_space<vmem>> -> memref<1x128xi32, #tpu.memory_space<vmem>>
            %dma_start3A_308 = tpu.memref_squeeze %dma_start3A_307 : memref<1x128xi32, #tpu.memory_space<vmem>> -> memref<128xi32, #tpu.memory_space<vmem>>
            %dma_start3A_309 = arith.constant 0 : i32
            %dma_start3A_310 = arith.constant 0 : i32
            %dma_start3A_311 = tpu.memref_slice %arg2[%dma_start3A_309, %dma_start3A_310] : memref<1088x128xf32, #tpu.memory_space<hbm>> -> memref<1088x128xf32, #tpu.memory_space<hbm>>
            tpu.enqueue_indirect_dma source(%dma_start3A_311 : memref<1088x128xf32, #tpu.memory_space<hbm>>) target(%dma_start3A_301 : memref<128x128xf32, #tpu.memory_space<vmem>>) offsets(%dma_start3A_308 : memref<128xi32, #tpu.memory_space<vmem>>) semaphore(%run_scoped3A_297 : memref<!tpu.dma_semaphore, #tpu.memory_space<semaphore_mem>>)
            %dma_wait3A = arith.constant 0 : i32
            %dma_wait3A_312 = arith.constant 0 : i32
            %dma_wait3A_313 = tpu.memref_slice %run_scoped3A_11[%rem3A_225, %dma_wait3A, %dma_wait3A_312] : memref<2x128x128xf32, #tpu.memory_space<vmem>> -> memref<1x128x128xf32, #tpu.memory_space<vmem>>
            %dma_wait3A_314 = tpu.memref_squeeze %dma_wait3A_313 : memref<1x128x128xf32, #tpu.memory_space<vmem>> -> memref<128x128xf32, #tpu.memory_space<vmem>>
            %dma_wait3A_315 = arith.constant 0 : i32
            %dma_wait3A_316 = arith.constant 0 : i32
            %dma_wait3A_317 = tpu.memref_slice %run_scoped3A[%rem3A_223, %dma_wait3A_315, %dma_wait3A_316] : memref<2x1x128xi32, #tpu.memory_space<vmem>> -> memref<1x1x128xi32, #tpu.memory_space<vmem>>
            %dma_wait3A_318 = tpu.memref_squeeze %dma_wait3A_317 : memref<1x1x128xi32, #tpu.memory_space<vmem>> -> memref<1x128xi32, #tpu.memory_space<vmem>>
            %dma_wait3A_319 = arith.constant 0 : i32
            %dma_wait3A_320 = tpu.memref_slice %dma_wait3A_318[%run_scoped3A_226, %dma_wait3A_319] : memref<1x128xi32, #tpu.memory_space<vmem>> -> memref<1x128xi32, #tpu.memory_space<vmem>>
            %dma_wait3A_321 = tpu.memref_squeeze %dma_wait3A_320 : memref<1x128xi32, #tpu.memory_space<vmem>> -> memref<128xi32, #tpu.memory_space<vmem>>
            %dma_wait3A_322 = arith.constant 0 : i32
            %dma_wait3A_323 = arith.constant 0 : i32
            %dma_wait3A_324 = tpu.memref_slice %arg2[%dma_wait3A_322, %dma_wait3A_323] : memref<1088x128xf32, #tpu.memory_space<hbm>> -> memref<1088x128xf32, #tpu.memory_space<hbm>>
            tpu.wait_indirect_dma semaphore(%run_scoped3A_297 : memref<!tpu.dma_semaphore, #tpu.memory_space<semaphore_mem>>) src(%dma_wait3A_324 : memref<1088x128xf32, #tpu.memory_space<hbm>>) dst(%dma_wait3A_314 : memref<128x128xf32, #tpu.memory_space<vmem>>)
            tpu.yield
          }) : () -> ()
          "tpu.trace_stop"() : () -> ()
          %ne3A_227 = arith.cmpi ne, %add3A_148, %add3A_166 : i32
          %or3A_228 = arith.constant false
          %or3A_229 = arith.ori %or3A_228, %ne3A_227 : i1
          %or3A_230 = arith.constant false
          %or3A_231 = arith.ori %or3A_229, %or3A_230 : i1
          %or3A_232 = arith.ori %or3A_231, %eq3A_147 : i1
          %convert_element_type3A_233 = arith.extui %or3A_232 : i1 to i32
          %cond3A_234 = arith.constant 0 : i32
          %cond3A_235 = arith.cmpi ne, %convert_element_type3A_233, %cond3A_234 : i32
          scf.if %cond3A_235 {
          } else {
          }
          %and3A_236 = arith.constant false
          %and3A_237 = arith.andi %or3A_232, %and3A_236 : i1
          %ne3A_238 = arith.cmpi ne, %add3A_148, %add3A_166 : i32
          %or3A_239 = arith.constant false
          %or3A_240 = arith.ori %or3A_239, %ne3A_238 : i1
          %or3A_241 = arith.constant false
          %or3A_242 = arith.ori %or3A_240, %or3A_241 : i1
          %or3A_243 = arith.ori %or3A_242, %eq3A_147 : i1
          %convert_element_type3A_244 = arith.extui %or3A_243 : i1 to i32
          %cond3A_245 = arith.constant 0 : i32
          %cond3A_246 = arith.cmpi ne, %convert_element_type3A_244, %cond3A_245 : i32
          scf.if %cond3A_246 {
            "tpu.trace_start"() <{level = 10 : i32, message = "ep_copy_out"}> : () -> ()
            %rem3A_297 = arith.constant 2 : i32
            %rem3A_298 = arith.remui %while3A_138, %rem3A_297 : i32
            %mul3A_299 = arith.constant 128 : i32
            %mul3A_300 = arith.muli %mul3A_299, %add3A_148 : i32
            %dma_start3A_301 = arith.constant 0 : i32
            %dma_start3A_302 = arith.constant 0 : i32
            %dma_start3A_303 = tpu.memref_slice %run_scoped3A_11[%rem3A_298, %dma_start3A_301, %dma_start3A_302] : memref<2x128x128xf32, #tpu.memory_space<vmem>> -> memref<1x128x128xf32, #tpu.memory_space<vmem>>
            %dma_start3A_304 = tpu.memref_squeeze %dma_start3A_303 : memref<1x128x128xf32, #tpu.memory_space<vmem>> -> memref<128x128xf32, #tpu.memory_space<vmem>>
            %dma_start3A_305 = arith.constant 0 : i32
            %dma_start3A_306 = tpu.memref_slice %arg4[%mul3A_300, %dma_start3A_305] : memref<5632x128xf32, #tpu.memory_space<hbm>> -> memref<128x128xf32, #tpu.memory_space<hbm>>
            %dma_start3A_307 = tpu.memref_slice %run_scoped3A_12[%rem3A_298] : memref<2x!tpu.dma_semaphore, #tpu.memory_space<semaphore_mem>> -> memref<1x!tpu.dma_semaphore, #tpu.memory_space<semaphore_mem>>
            %dma_start3A_308 = tpu.memref_squeeze %dma_start3A_307 : memref<1x!tpu.dma_semaphore, #tpu.memory_space<semaphore_mem>> -> memref<!tpu.dma_semaphore, #tpu.memory_space<semaphore_mem>>
            %dma_start3A_309 = arith.constant 0 : i32
            %dma_start3A_310 = tpu.memref_slice %arg4[%mul3A_300, %dma_start3A_309] : memref<5632x128xf32, #tpu.memory_space<hbm>> -> memref<128x128xf32, #tpu.memory_space<hbm>>
            %dma_start3A_311 = arith.constant 0 : i32
            %dma_start3A_312 = arith.constant 0 : i32
            %dma_start3A_313 = tpu.memref_slice %run_scoped3A_11[%rem3A_298, %dma_start3A_311, %dma_start3A_312] : memref<2x128x128xf32, #tpu.memory_space<vmem>> -> memref<1x128x128xf32, #tpu.memory_space<vmem>>
            %dma_start3A_314 = tpu.memref_squeeze %dma_start3A_313 : memref<1x128x128xf32, #tpu.memory_space<vmem>> -> memref<128x128xf32, #tpu.memory_space<vmem>>
            tpu.enqueue_dma source(%dma_start3A_314 : memref<128x128xf32, #tpu.memory_space<vmem>>) target(%dma_start3A_310 : memref<128x128xf32, #tpu.memory_space<hbm>>) target_semaphore(%dma_start3A_308 : memref<!tpu.dma_semaphore, #tpu.memory_space<semaphore_mem>>)
            "tpu.trace_stop"() : () -> ()
          } else {
          }
          %and3A_247 = arith.constant true
          %and3A_248 = arith.andi %or3A_243, %and3A_247 : i1
          %add3A_249 = arith.constant 1 : i32
          %add3A_250 = arith.addi %while3A_138, %add3A_249 : i32
          %select_n3A_251 = arith.select %and3A_248, %add3A_250, %while3A_138 : i32
          %ne3A_252 = arith.cmpi ne, %add3A_148, %add3A_158 : i32
          %or3A_253 = arith.constant false
          %or3A_254 = arith.ori %or3A_253, %ne3A_252 : i1
          %or3A_255 = arith.constant false
          %or3A_256 = arith.ori %or3A_254, %or3A_255 : i1
          %not3A_257 = arith.constant true
          %not3A_258 = arith.xori %eq3A_144, %not3A_257 : i1
          %and3A_259 = arith.andi %or3A_256, %not3A_258 : i1
          %convert_element_type3A_260 = arith.extui %and3A_259 : i1 to i32
          %cond3A_261 = arith.constant 0 : i32
          %cond3A_262 = arith.cmpi ne, %convert_element_type3A_260, %cond3A_261 : i32
          scf.if %cond3A_262 {
          } else {
          }
          %and3A_263 = arith.constant false
          %and3A_264 = arith.andi %and3A_259, %and3A_263 : i1
          %ne3A_265 = arith.cmpi ne, %add3A_148, %add3A_158 : i32
          %or3A_266 = arith.constant false
          %or3A_267 = arith.ori %or3A_266, %ne3A_265 : i1
          %or3A_268 = arith.constant false
          %or3A_269 = arith.ori %or3A_267, %or3A_268 : i1
          %not3A_270 = arith.constant true
          %not3A_271 = arith.xori %eq3A_144, %not3A_270 : i1
          %and3A_272 = arith.andi %or3A_269, %not3A_271 : i1
          %convert_element_type3A_273 = arith.extui %and3A_272 : i1 to i32
          %cond3A_274 = arith.constant 0 : i32
          %cond3A_275 = arith.cmpi ne, %convert_element_type3A_273, %cond3A_274 : i32
          scf.if %cond3A_275 {
            "tpu.trace_start"() <{level = 10 : i32, message = "ep_wait_out"}> : () -> ()
            %rem3A_297 = arith.constant 2 : i32
            %rem3A_298 = arith.remui %while3A_139, %rem3A_297 : i32
            %mul3A_299 = arith.constant 128 : i32
            %mul3A_300 = arith.muli %mul3A_299, %add3A_158 : i32
            %dma_wait3A = arith.constant 0 : i32
            %dma_wait3A_301 = arith.constant 0 : i32
            %dma_wait3A_302 = tpu.memref_slice %run_scoped3A_11[%rem3A_298, %dma_wait3A, %dma_wait3A_301] : memref<2x128x128xf32, #tpu.memory_space<vmem>> -> memref<1x128x128xf32, #tpu.memory_space<vmem>>
            %dma_wait3A_303 = tpu.memref_squeeze %dma_wait3A_302 : memref<1x128x128xf32, #tpu.memory_space<vmem>> -> memref<128x128xf32, #tpu.memory_space<vmem>>
            %dma_wait3A_304 = arith.constant 0 : i32
            %dma_wait3A_305 = tpu.memref_slice %arg4[%mul3A_300, %dma_wait3A_304] : memref<5632x128xf32, #tpu.memory_space<hbm>> -> memref<128x128xf32, #tpu.memory_space<hbm>>
            %dma_wait3A_306 = tpu.memref_slice %run_scoped3A_12[%rem3A_298] : memref<2x!tpu.dma_semaphore, #tpu.memory_space<semaphore_mem>> -> memref<1x!tpu.dma_semaphore, #tpu.memory_space<semaphore_mem>>
            %dma_wait3A_307 = tpu.memref_squeeze %dma_wait3A_306 : memref<1x!tpu.dma_semaphore, #tpu.memory_space<semaphore_mem>> -> memref<!tpu.dma_semaphore, #tpu.memory_space<semaphore_mem>>
            %dma_wait3A_308 = arith.constant 0 : i32
            %dma_wait3A_309 = tpu.memref_slice %arg4[%mul3A_300, %dma_wait3A_308] : memref<5632x128xf32, #tpu.memory_space<hbm>> -> memref<128x128xf32, #tpu.memory_space<hbm>>
            %dma_wait3A_310 = arith.constant 0 : i32
            %dma_wait3A_311 = arith.constant 0 : i32
            %dma_wait3A_312 = tpu.memref_slice %run_scoped3A_11[%rem3A_298, %dma_wait3A_310, %dma_wait3A_311] : memref<2x128x128xf32, #tpu.memory_space<vmem>> -> memref<1x128x128xf32, #tpu.memory_space<vmem>>
            %dma_wait3A_313 = tpu.memref_squeeze %dma_wait3A_312 : memref<1x128x128xf32, #tpu.memory_space<vmem>> -> memref<128x128xf32, #tpu.memory_space<vmem>>
            tpu.wait_dma2 semaphore(%dma_wait3A_307 : memref<!tpu.dma_semaphore, #tpu.memory_space<semaphore_mem>>) src(%dma_wait3A_313 : memref<128x128xf32, #tpu.memory_space<vmem>>) dst(%dma_wait3A_309 : memref<128x128xf32, #tpu.memory_space<hbm>>)
            "tpu.trace_stop"() : () -> ()
          } else {
          }
          %and3A_276 = arith.constant true
          %and3A_277 = arith.andi %and3A_272, %and3A_276 : i1
          %add3A_278 = arith.constant 1 : i32
          %add3A_279 = arith.addi %while3A_139, %add3A_278 : i32
          %select_n3A_280 = arith.select %and3A_277, %add3A_279, %while3A_139 : i32
          %ne3A_281 = arith.cmpi ne, %add3A_148, %add3A_166 : i32
          %or3A_282 = arith.constant false
          %or3A_283 = arith.ori %or3A_282, %ne3A_281 : i1
          %or3A_284 = arith.constant false
          %or3A_285 = arith.ori %or3A_283, %or3A_284 : i1
          %or3A_286 = arith.ori %or3A_285, %eq3A_147 : i1
          %add3A_287 = arith.constant 1 : i32
          %add3A_288 = arith.addi %while3A_137, %add3A_287 : i32
          %select_n3A_289 = arith.select %or3A_286, %add3A_288, %while3A_137 : i32
          %add3A_290 = arith.constant 1 : i32
          %add3A_291 = arith.addi %while3A_140, %add3A_290 : i32
          %select_n3A_292 = arith.constant true
          %select_n3A_293 = arith.select %select_n3A_292, %add3A_291, %while3A_140 : i32
          %eq3A_294 = arith.cmpi eq, %select_n3A_293, %select_n3A : i32
          %select_n3A_295 = arith.constant 0 : i32
          %select_n3A_296 = arith.select %eq3A_294, %select_n3A_295, %select_n3A_293 : i32
          scf.yield %select_n3A_190, %select_n3A_289, %select_n3A_251, %select_n3A_280, %select_n3A_296 : i32, i32, i32, i32, i32
        }
        %while3A_82 = arith.constant 1 : i32
        %while3A_83:5 = scf.for %while3A_135 = %while3A_79 to %while3A_75 step %while3A_82 iter_args(%while3A_136 = %while3A_81#0, %while3A_137 = %while3A_81#1, %while3A_138 = %while3A_81#2, %while3A_139 = %while3A_81#3, %while3A_140 = %while3A_81#4) -> (i32, i32, i32, i32, i32)  : i32 {
          %mul3A_141 = arith.constant 1 : i32
          %mul3A_142 = arith.muli %mul3A_141, %select_n3A : i32
          %eq3A_143 = arith.constant 0 : i32
          %eq3A_144 = arith.cmpi eq, %while3A_135, %eq3A_143 : i32
          %sub3A_145 = arith.constant 1 : i32
          %sub3A_146 = arith.subi %mul3A_142, %sub3A_145 : i32
          %eq3A_147 = arith.cmpi eq, %while3A_135, %sub3A_146 : i32
          %add3A_148 = arith.addi %while3A_140, %select_n3A_7 : i32
          %sub3A_149 = arith.constant 1 : i32
          %sub3A_150 = arith.subi %while3A_140, %sub3A_149 : i32
          %select_n3A_151 = arith.constant true
          %select_n3A_152 = arith.select %select_n3A_151, %sub3A_150, %while3A_140 : i32
          %eq3A_153 = arith.constant -1 : i32
          %eq3A_154 = arith.cmpi eq, %select_n3A_152, %eq3A_153 : i32
          %sub3A_155 = arith.constant 1 : i32
          %sub3A_156 = arith.subi %select_n3A, %sub3A_155 : i32
          %select_n3A_157 = arith.select %eq3A_154, %sub3A_156, %select_n3A_152 : i32
          %add3A_158 = arith.addi %select_n3A_157, %select_n3A_7 : i32
          %add3A_159 = arith.constant 1 : i32
          %add3A_160 = arith.addi %while3A_140, %add3A_159 : i32
          %select_n3A_161 = arith.constant true
          %select_n3A_162 = arith.select %select_n3A_161, %add3A_160, %while3A_140 : i32
          %eq3A_163 = arith.cmpi eq, %select_n3A_162, %select_n3A : i32
          %select_n3A_164 = arith.constant 0 : i32
          %select_n3A_165 = arith.select %eq3A_163, %select_n3A_164, %select_n3A_162 : i32
          %add3A_166 = arith.addi %select_n3A_165, %select_n3A_7 : i32
          %add3A_167 = arith.constant 1 : i32
          %add3A_168 = arith.addi %select_n3A_165, %add3A_167 : i32
          %select_n3A_169 = arith.constant true
          %select_n3A_170 = arith.select %select_n3A_169, %add3A_168, %select_n3A_165 : i32
          %eq3A_171 = arith.cmpi eq, %select_n3A_170, %select_n3A : i32
          %select_n3A_172 = arith.constant 0 : i32
          %select_n3A_173 = arith.select %eq3A_171, %select_n3A_172, %select_n3A_170 : i32
          %add3A_174 = arith.addi %select_n3A_173, %select_n3A_7 : i32
          %ne3A = arith.cmpi ne, %add3A_148, %add3A_166 : i32
          %or3A = arith.constant false
          %or3A_175 = arith.ori %or3A, %ne3A : i1
          %or3A_176 = arith.constant false
          %or3A_177 = arith.ori %or3A_175, %or3A_176 : i1
          %sub3A_178 = arith.constant 2 : i32
          %sub3A_179 = arith.subi %mul3A_142, %sub3A_178 : i32
          %add3A_180 = arith.constant 1 : i32
          %add3A_181 = arith.addi %sub3A_179, %add3A_180 : i32
          %ge3A = arith.cmpi sge, %while3A_135, %add3A_181 : i32
          %not3A = arith.constant true
          %not3A_182 = arith.xori %ge3A, %not3A : i1
          %and3A = arith.andi %or3A_177, %not3A_182 : i1
          %convert_element_type3A_183 = arith.extui %and3A : i1 to i32
          %cond3A_184 = arith.constant 0 : i32
          %cond3A_185 = arith.cmpi ne, %convert_element_type3A_183, %cond3A_184 : i32
          scf.if %cond3A_185 {
            "tpu.trace_start"() <{level = 10 : i32, message = "ep_copy_in"}> : () -> ()
            %rem3A_297 = arith.constant 2 : i32
            %rem3A_298 = arith.remui %while3A_136, %rem3A_297 : i32
            %mul3A_299 = arith.constant 1 : i32
            %mul3A_300 = arith.muli %mul3A_299, %add3A_166 : i32
            %dma_start3A_301 = arith.constant 0 : i32
            %dma_start3A_302 = arith.constant 0 : i32
            %dma_start3A_303 = tpu.memref_slice %run_scoped3A[%rem3A_298, %dma_start3A_301, %dma_start3A_302] : memref<2x1x128xi32, #tpu.memory_space<vmem>> -> memref<1x1x128xi32, #tpu.memory_space<vmem>>
            %dma_start3A_304 = tpu.memref_squeeze %dma_start3A_303 : memref<1x1x128xi32, #tpu.memory_space<vmem>> -> memref<1x128xi32, #tpu.memory_space<vmem>>
            %dma_start3A_305 = arith.constant 0 : i32
            %dma_start3A_306 = tpu.memref_slice %arg3[%mul3A_300, %dma_start3A_305] : memref<44x128xi32, #tpu.memory_space<hbm>> -> memref<1x128xi32, #tpu.memory_space<hbm>>
            %dma_start3A_307 = tpu.memref_slice %run_scoped3A_10[%rem3A_298] : memref<2x!tpu.dma_semaphore, #tpu.memory_space<semaphore_mem>> -> memref<1x!tpu.dma_semaphore, #tpu.memory_space<semaphore_mem>>
            %dma_start3A_308 = tpu.memref_squeeze %dma_start3A_307 : memref<1x!tpu.dma_semaphore, #tpu.memory_space<semaphore_mem>> -> memref<!tpu.dma_semaphore, #tpu.memory_space<semaphore_mem>>
            %dma_start3A_309 = arith.constant 0 : i32
            %dma_start3A_310 = arith.constant 0 : i32
            %dma_start3A_311 = tpu.memref_slice %run_scoped3A[%rem3A_298, %dma_start3A_309, %dma_start3A_310] : memref<2x1x128xi32, #tpu.memory_space<vmem>> -> memref<1x1x128xi32, #tpu.memory_space<vmem>>
            %dma_start3A_312 = tpu.memref_squeeze %dma_start3A_311 : memref<1x1x128xi32, #tpu.memory_space<vmem>> -> memref<1x128xi32, #tpu.memory_space<vmem>>
            %dma_start3A_313 = arith.constant 0 : i32
            %dma_start3A_314 = tpu.memref_slice %arg3[%mul3A_300, %dma_start3A_313] : memref<44x128xi32, #tpu.memory_space<hbm>> -> memref<1x128xi32, #tpu.memory_space<hbm>>
            tpu.enqueue_dma source(%dma_start3A_314 : memref<1x128xi32, #tpu.memory_space<hbm>>) target(%dma_start3A_312 : memref<1x128xi32, #tpu.memory_space<vmem>>) target_semaphore(%dma_start3A_308 : memref<!tpu.dma_semaphore, #tpu.memory_space<semaphore_mem>>)
            "tpu.trace_stop"() : () -> ()
          } else {
          }
          %and3A_186 = arith.constant true
          %and3A_187 = arith.andi %and3A, %and3A_186 : i1
          %add3A_188 = arith.constant 1 : i32
          %add3A_189 = arith.addi %while3A_136, %add3A_188 : i32
          %select_n3A_190 = arith.select %and3A_187, %add3A_189, %while3A_136 : i32
          %ne3A_191 = arith.cmpi ne, %add3A_148, %add3A_166 : i32
          %or3A_192 = arith.constant false
          %or3A_193 = arith.ori %or3A_192, %ne3A_191 : i1
          %or3A_194 = arith.constant false
          %or3A_195 = arith.ori %or3A_193, %or3A_194 : i1
          %sub3A_196 = arith.constant 2 : i32
          %sub3A_197 = arith.subi %mul3A_142, %sub3A_196 : i32
          %add3A_198 = arith.constant 1 : i32
          %add3A_199 = arith.addi %sub3A_197, %add3A_198 : i32
          %ge3A_200 = arith.cmpi sge, %while3A_135, %add3A_199 : i32
          %not3A_201 = arith.constant true
          %not3A_202 = arith.xori %ge3A_200, %not3A_201 : i1
          %and3A_203 = arith.andi %or3A_195, %not3A_202 : i1
          %ne3A_204 = arith.cmpi ne, %add3A_148, %add3A_158 : i32
          %or3A_205 = arith.constant false
          %or3A_206 = arith.ori %or3A_205, %ne3A_204 : i1
          %or3A_207 = arith.constant false
          %or3A_208 = arith.ori %or3A_206, %or3A_207 : i1
          %or3A_209 = arith.ori %or3A_208, %eq3A_144 : i1
          %convert_element_type3A_210 = arith.extui %or3A_209 : i1 to i32
          %cond3A_211 = arith.constant 0 : i32
          %cond3A_212 = arith.cmpi ne, %convert_element_type3A_210, %cond3A_211 : i32
          scf.if %cond3A_212 {
            "tpu.trace_start"() <{level = 10 : i32, message = "ep_wait_in"}> : () -> ()
            %mul3A_297 = arith.constant 1 : i32
            %mul3A_298 = arith.muli %mul3A_297, %add3A_148 : i32
            %rem3A_299 = arith.constant 2 : i32
            %rem3A_300 = arith.remui %while3A_137, %rem3A_299 : i32
            %dma_wait3A = arith.constant 0 : i32
            %dma_wait3A_301 = arith.constant 0 : i32
            %dma_wait3A_302 = tpu.memref_slice %run_scoped3A[%rem3A_300, %dma_wait3A, %dma_wait3A_301] : memref<2x1x128xi32, #tpu.memory_space<vmem>> -> memref<1x1x128xi32, #tpu.memory_space<vmem>>
            %dma_wait3A_303 = tpu.memref_squeeze %dma_wait3A_302 : memref<1x1x128xi32, #tpu.memory_space<vmem>> -> memref<1x128xi32, #tpu.memory_space<vmem>>
            %dma_wait3A_304 = arith.constant 0 : i32
            %dma_wait3A_305 = tpu.memref_slice %arg3[%mul3A_298, %dma_wait3A_304] : memref<44x128xi32, #tpu.memory_space<hbm>> -> memref<1x128xi32, #tpu.memory_space<hbm>>
            %dma_wait3A_306 = tpu.memref_slice %run_scoped3A_10[%rem3A_300] : memref<2x!tpu.dma_semaphore, #tpu.memory_space<semaphore_mem>> -> memref<1x!tpu.dma_semaphore, #tpu.memory_space<semaphore_mem>>
            %dma_wait3A_307 = tpu.memref_squeeze %dma_wait3A_306 : memref<1x!tpu.dma_semaphore, #tpu.memory_space<semaphore_mem>> -> memref<!tpu.dma_semaphore, #tpu.memory_space<semaphore_mem>>
            %dma_wait3A_308 = arith.constant 0 : i32
            %dma_wait3A_309 = arith.constant 0 : i32
            %dma_wait3A_310 = tpu.memref_slice %run_scoped3A[%rem3A_300, %dma_wait3A_308, %dma_wait3A_309] : memref<2x1x128xi32, #tpu.memory_space<vmem>> -> memref<1x1x128xi32, #tpu.memory_space<vmem>>
            %dma_wait3A_311 = tpu.memref_squeeze %dma_wait3A_310 : memref<1x1x128xi32, #tpu.memory_space<vmem>> -> memref<1x128xi32, #tpu.memory_space<vmem>>
            %dma_wait3A_312 = arith.constant 0 : i32
            %dma_wait3A_313 = tpu.memref_slice %arg3[%mul3A_298, %dma_wait3A_312] : memref<44x128xi32, #tpu.memory_space<hbm>> -> memref<1x128xi32, #tpu.memory_space<hbm>>
            tpu.wait_dma2 semaphore(%dma_wait3A_307 : memref<!tpu.dma_semaphore, #tpu.memory_space<semaphore_mem>>) src(%dma_wait3A_313 : memref<1x128xi32, #tpu.memory_space<hbm>>) dst(%dma_wait3A_311 : memref<1x128xi32, #tpu.memory_space<vmem>>)
            "tpu.trace_stop"() : () -> ()
          } else {
          }
          %ne3A_213 = arith.cmpi ne, %add3A_148, %add3A_158 : i32
          %or3A_214 = arith.constant false
          %or3A_215 = arith.ori %or3A_214, %ne3A_213 : i1
          %or3A_216 = arith.constant false
          %or3A_217 = arith.ori %or3A_215, %or3A_216 : i1
          %or3A_218 = arith.ori %or3A_217, %eq3A_144 : i1
          %convert_element_type3A_219 = arith.extui %or3A_218 : i1 to i32
          %cond3A_220 = arith.constant 0 : i32
          %cond3A_221 = arith.cmpi ne, %convert_element_type3A_219, %cond3A_220 : i32
          scf.if %cond3A_221 {
          } else {
          }
          %rem3A_222 = arith.constant 2 : i32
          %rem3A_223 = arith.remui %while3A_137, %rem3A_222 : i32
          %rem3A_224 = arith.constant 2 : i32
          %rem3A_225 = arith.remui %while3A_138, %rem3A_224 : i32
          %run_scoped3A_226 = arith.constant 0 : i32
          "tpu.trace_start"() <{level = 10 : i32, message = "ep_run_kernel"}> : () -> ()
          "tpu.region"() ({
            %run_scoped3A_297 = tpu.sem_alloc : memref<!tpu.dma_semaphore, #tpu.memory_space<semaphore_mem>>
            %dma_start3A_298 = arith.constant 0 : i32
            %dma_start3A_299 = arith.constant 0 : i32
            %dma_start3A_300 = tpu.memref_slice %run_scoped3A_11[%rem3A_225, %dma_start3A_298, %dma_start3A_299] : memref<2x128x128xf32, #tpu.memory_space<vmem>> -> memref<1x128x128xf32, #tpu.memory_space<vmem>>
            %dma_start3A_301 = tpu.memref_squeeze %dma_start3A_300 : memref<1x128x128xf32, #tpu.memory_space<vmem>> -> memref<128x128xf32, #tpu.memory_space<vmem>>
            %dma_start3A_302 = arith.constant 0 : i32
            %dma_start3A_303 = arith.constant 0 : i32
            %dma_start3A_304 = tpu.memref_slice %run_scoped3A[%rem3A_223, %dma_start3A_302, %dma_start3A_303] : memref<2x1x128xi32, #tpu.memory_space<vmem>> -> memref<1x1x128xi32, #tpu.memory_space<vmem>>
            %dma_start3A_305 = tpu.memref_squeeze %dma_start3A_304 : memref<1x1x128xi32, #tpu.memory_space<vmem>> -> memref<1x128xi32, #tpu.memory_space<vmem>>
            %dma_start3A_306 = arith.constant 0 : i32
            %dma_start3A_307 = tpu.memref_slice %dma_start3A_305[%run_scoped3A_226, %dma_start3A_306] : memref<1x128xi32, #tpu.memory_space<vmem>> -> memref<1x128xi32, #tpu.memory_space<vmem>>
            %dma_start3A_308 = tpu.memref_squeeze %dma_start3A_307 : memref<1x128xi32, #tpu.memory_space<vmem>> -> memref<128xi32, #tpu.memory_space<vmem>>
            %dma_start3A_309 = arith.constant 0 : i32
            %dma_start3A_310 = arith.constant 0 : i32
            %dma_start3A_311 = tpu.memref_slice %arg2[%dma_start3A_309, %dma_start3A_310] : memref<1088x128xf32, #tpu.memory_space<hbm>> -> memref<1088x128xf32, #tpu.memory_space<hbm>>
            tpu.enqueue_indirect_dma source(%dma_start3A_311 : memref<1088x128xf32, #tpu.memory_space<hbm>>) target(%dma_start3A_301 : memref<128x128xf32, #tpu.memory_space<vmem>>) offsets(%dma_start3A_308 : memref<128xi32, #tpu.memory_space<vmem>>) semaphore(%run_scoped3A_297 : memref<!tpu.dma_semaphore, #tpu.memory_space<semaphore_mem>>)
            %dma_wait3A = arith.constant 0 : i32
            %dma_wait3A_312 = arith.constant 0 : i32
            %dma_wait3A_313 = tpu.memref_slice %run_scoped3A_11[%rem3A_225, %dma_wait3A, %dma_wait3A_312] : memref<2x128x128xf32, #tpu.memory_space<vmem>> -> memref<1x128x128xf32, #tpu.memory_space<vmem>>
            %dma_wait3A_314 = tpu.memref_squeeze %dma_wait3A_313 : memref<1x128x128xf32, #tpu.memory_space<vmem>> -> memref<128x128xf32, #tpu.memory_space<vmem>>
            %dma_wait3A_315 = arith.constant 0 : i32
            %dma_wait3A_316 = arith.constant 0 : i32
            %dma_wait3A_317 = tpu.memref_slice %run_scoped3A[%rem3A_223, %dma_wait3A_315, %dma_wait3A_316] : memref<2x1x128xi32, #tpu.memory_space<vmem>> -> memref<1x1x128xi32, #tpu.memory_space<vmem>>
            %dma_wait3A_318 = tpu.memref_squeeze %dma_wait3A_317 : memref<1x1x128xi32, #tpu.memory_space<vmem>> -> memref<1x128xi32, #tpu.memory_space<vmem>>
            %dma_wait3A_319 = arith.constant 0 : i32
            %dma_wait3A_320 = tpu.memref_slice %dma_wait3A_318[%run_scoped3A_226, %dma_wait3A_319] : memref<1x128xi32, #tpu.memory_space<vmem>> -> memref<1x128xi32, #tpu.memory_space<vmem>>
            %dma_wait3A_321 = tpu.memref_squeeze %dma_wait3A_320 : memref<1x128xi32, #tpu.memory_space<vmem>> -> memref<128xi32, #tpu.memory_space<vmem>>
            %dma_wait3A_322 = arith.constant 0 : i32
            %dma_wait3A_323 = arith.constant 0 : i32
            %dma_wait3A_324 = tpu.memref_slice %arg2[%dma_wait3A_322, %dma_wait3A_323] : memref<1088x128xf32, #tpu.memory_space<hbm>> -> memref<1088x128xf32, #tpu.memory_space<hbm>>
            tpu.wait_indirect_dma semaphore(%run_scoped3A_297 : memref<!tpu.dma_semaphore, #tpu.memory_space<semaphore_mem>>) src(%dma_wait3A_324 : memref<1088x128xf32, #tpu.memory_space<hbm>>) dst(%dma_wait3A_314 : memref<128x128xf32, #tpu.memory_space<vmem>>)
            tpu.yield
          }) : () -> ()
          "tpu.trace_stop"() : () -> ()
          %ne3A_227 = arith.cmpi ne, %add3A_148, %add3A_166 : i32
          %or3A_228 = arith.constant false
          %or3A_229 = arith.ori %or3A_228, %ne3A_227 : i1
          %or3A_230 = arith.constant false
          %or3A_231 = arith.ori %or3A_229, %or3A_230 : i1
          %or3A_232 = arith.ori %or3A_231, %eq3A_147 : i1
          %convert_element_type3A_233 = arith.extui %or3A_232 : i1 to i32
          %cond3A_234 = arith.constant 0 : i32
          %cond3A_235 = arith.cmpi ne, %convert_element_type3A_233, %cond3A_234 : i32
          scf.if %cond3A_235 {
          } else {
          }
          %and3A_236 = arith.constant false
          %and3A_237 = arith.andi %or3A_232, %and3A_236 : i1
          %ne3A_238 = arith.cmpi ne, %add3A_148, %add3A_166 : i32
          %or3A_239 = arith.constant false
          %or3A_240 = arith.ori %or3A_239, %ne3A_238 : i1
          %or3A_241 = arith.constant false
          %or3A_242 = arith.ori %or3A_240, %or3A_241 : i1
          %or3A_243 = arith.ori %or3A_242, %eq3A_147 : i1
          %convert_element_type3A_244 = arith.extui %or3A_243 : i1 to i32
          %cond3A_245 = arith.constant 0 : i32
          %cond3A_246 = arith.cmpi ne, %convert_element_type3A_244, %cond3A_245 : i32
          scf.if %cond3A_246 {
            "tpu.trace_start"() <{level = 10 : i32, message = "ep_copy_out"}> : () -> ()
            %rem3A_297 = arith.constant 2 : i32
            %rem3A_298 = arith.remui %while3A_138, %rem3A_297 : i32
            %mul3A_299 = arith.constant 128 : i32
            %mul3A_300 = arith.muli %mul3A_299, %add3A_148 : i32
            %dma_start3A_301 = arith.constant 0 : i32
            %dma_start3A_302 = arith.constant 0 : i32
            %dma_start3A_303 = tpu.memref_slice %run_scoped3A_11[%rem3A_298, %dma_start3A_301, %dma_start3A_302] : memref<2x128x128xf32, #tpu.memory_space<vmem>> -> memref<1x128x128xf32, #tpu.memory_space<vmem>>
            %dma_start3A_304 = tpu.memref_squeeze %dma_start3A_303 : memref<1x128x128xf32, #tpu.memory_space<vmem>> -> memref<128x128xf32, #tpu.memory_space<vmem>>
            %dma_start3A_305 = arith.constant 0 : i32
            %dma_start3A_306 = tpu.memref_slice %arg4[%mul3A_300, %dma_start3A_305] : memref<5632x128xf32, #tpu.memory_space<hbm>> -> memref<128x128xf32, #tpu.memory_space<hbm>>
            %dma_start3A_307 = tpu.memref_slice %run_scoped3A_12[%rem3A_298] : memref<2x!tpu.dma_semaphore, #tpu.memory_space<semaphore_mem>> -> memref<1x!tpu.dma_semaphore, #tpu.memory_space<semaphore_mem>>
            %dma_start3A_308 = tpu.memref_squeeze %dma_start3A_307 : memref<1x!tpu.dma_semaphore, #tpu.memory_space<semaphore_mem>> -> memref<!tpu.dma_semaphore, #tpu.memory_space<semaphore_mem>>
            %dma_start3A_309 = arith.constant 0 : i32
            %dma_start3A_310 = tpu.memref_slice %arg4[%mul3A_300, %dma_start3A_309] : memref<5632x128xf32, #tpu.memory_space<hbm>> -> memref<128x128xf32, #tpu.memory_space<hbm>>
            %dma_start3A_311 = arith.constant 0 : i32
            %dma_start3A_312 = arith.constant 0 : i32
            %dma_start3A_313 = tpu.memref_slice %run_scoped3A_11[%rem3A_298, %dma_start3A_311, %dma_start3A_312] : memref<2x128x128xf32, #tpu.memory_space<vmem>> -> memref<1x128x128xf32, #tpu.memory_space<vmem>>
            %dma_start3A_314 = tpu.memref_squeeze %dma_start3A_313 : memref<1x128x128xf32, #tpu.memory_space<vmem>> -> memref<128x128xf32, #tpu.memory_space<vmem>>
            tpu.enqueue_dma source(%dma_start3A_314 : memref<128x128xf32, #tpu.memory_space<vmem>>) target(%dma_start3A_310 : memref<128x128xf32, #tpu.memory_space<hbm>>) target_semaphore(%dma_start3A_308 : memref<!tpu.dma_semaphore, #tpu.memory_space<semaphore_mem>>)
            "tpu.trace_stop"() : () -> ()
          } else {
          }
          %and3A_247 = arith.constant true
          %and3A_248 = arith.andi %or3A_243, %and3A_247 : i1
          %add3A_249 = arith.constant 1 : i32
          %add3A_250 = arith.addi %while3A_138, %add3A_249 : i32
          %select_n3A_251 = arith.select %and3A_248, %add3A_250, %while3A_138 : i32
          %ne3A_252 = arith.cmpi ne, %add3A_148, %add3A_158 : i32
          %or3A_253 = arith.constant false
          %or3A_254 = arith.ori %or3A_253, %ne3A_252 : i1
          %or3A_255 = arith.constant false
          %or3A_256 = arith.ori %or3A_254, %or3A_255 : i1
          %not3A_257 = arith.constant true
          %not3A_258 = arith.xori %eq3A_144, %not3A_257 : i1
          %and3A_259 = arith.andi %or3A_256, %not3A_258 : i1
          %convert_element_type3A_260 = arith.extui %and3A_259 : i1 to i32
          %cond3A_261 = arith.constant 0 : i32
          %cond3A_262 = arith.cmpi ne, %convert_element_type3A_260, %cond3A_261 : i32
          scf.if %cond3A_262 {
          } else {
          }
          %and3A_263 = arith.constant false
          %and3A_264 = arith.andi %and3A_259, %and3A_263 : i1
          %ne3A_265 = arith.cmpi ne, %add3A_148, %add3A_158 : i32
          %or3A_266 = arith.constant false
          %or3A_267 = arith.ori %or3A_266, %ne3A_265 : i1
          %or3A_268 = arith.constant false
          %or3A_269 = arith.ori %or3A_267, %or3A_268 : i1
          %not3A_270 = arith.constant true
          %not3A_271 = arith.xori %eq3A_144, %not3A_270 : i1
          %and3A_272 = arith.andi %or3A_269, %not3A_271 : i1
          %convert_element_type3A_273 = arith.extui %and3A_272 : i1 to i32
          %cond3A_274 = arith.constant 0 : i32
          %cond3A_275 = arith.cmpi ne, %convert_element_type3A_273, %cond3A_274 : i32
          scf.if %cond3A_275 {
            "tpu.trace_start"() <{level = 10 : i32, message = "ep_wait_out"}> : () -> ()
            %rem3A_297 = arith.constant 2 : i32
            %rem3A_298 = arith.remui %while3A_139, %rem3A_297 : i32
            %mul3A_299 = arith.constant 128 : i32
            %mul3A_300 = arith.muli %mul3A_299, %add3A_158 : i32
            %dma_wait3A = arith.constant 0 : i32
            %dma_wait3A_301 = arith.constant 0 : i32
            %dma_wait3A_302 = tpu.memref_slice %run_scoped3A_11[%rem3A_298, %dma_wait3A, %dma_wait3A_301] : memref<2x128x128xf32, #tpu.memory_space<vmem>> -> memref<1x128x128xf32, #tpu.memory_space<vmem>>
            %dma_wait3A_303 = tpu.memref_squeeze %dma_wait3A_302 : memref<1x128x128xf32, #tpu.memory_space<vmem>> -> memref<128x128xf32, #tpu.memory_space<vmem>>
            %dma_wait3A_304 = arith.constant 0 : i32
            %dma_wait3A_305 = tpu.memref_slice %arg4[%mul3A_300, %dma_wait3A_304] : memref<5632x128xf32, #tpu.memory_space<hbm>> -> memref<128x128xf32, #tpu.memory_space<hbm>>
            %dma_wait3A_306 = tpu.memref_slice %run_scoped3A_12[%rem3A_298] : memref<2x!tpu.dma_semaphore, #tpu.memory_space<semaphore_mem>> -> memref<1x!tpu.dma_semaphore, #tpu.memory_space<semaphore_mem>>
            %dma_wait3A_307 = tpu.memref_squeeze %dma_wait3A_306 : memref<1x!tpu.dma_semaphore, #tpu.memory_space<semaphore_mem>> -> memref<!tpu.dma_semaphore, #tpu.memory_space<semaphore_mem>>
            %dma_wait3A_308 = arith.constant 0 : i32
            %dma_wait3A_309 = tpu.memref_slice %arg4[%mul3A_300, %dma_wait3A_308] : memref<5632x128xf32, #tpu.memory_space<hbm>> -> memref<128x128xf32, #tpu.memory_space<hbm>>
            %dma_wait3A_310 = arith.constant 0 : i32
            %dma_wait3A_311 = arith.constant 0 : i32
            %dma_wait3A_312 = tpu.memref_slice %run_scoped3A_11[%rem3A_298, %dma_wait3A_310, %dma_wait3A_311] : memref<2x128x128xf32, #tpu.memory_space<vmem>> -> memref<1x128x128xf32, #tpu.memory_space<vmem>>
            %dma_wait3A_313 = tpu.memref_squeeze %dma_wait3A_312 : memref<1x128x128xf32, #tpu.memory_space<vmem>> -> memref<128x128xf32, #tpu.memory_space<vmem>>
            tpu.wait_dma2 semaphore(%dma_wait3A_307 : memref<!tpu.dma_semaphore, #tpu.memory_space<semaphore_mem>>) src(%dma_wait3A_313 : memref<128x128xf32, #tpu.memory_space<vmem>>) dst(%dma_wait3A_309 : memref<128x128xf32, #tpu.memory_space<hbm>>)
            "tpu.trace_stop"() : () -> ()
          } else {
          }
          %and3A_276 = arith.constant true
          %and3A_277 = arith.andi %and3A_272, %and3A_276 : i1
          %add3A_278 = arith.constant 1 : i32
          %add3A_279 = arith.addi %while3A_139, %add3A_278 : i32
          %select_n3A_280 = arith.select %and3A_277, %add3A_279, %while3A_139 : i32
          %ne3A_281 = arith.cmpi ne, %add3A_148, %add3A_166 : i32
          %or3A_282 = arith.constant false
          %or3A_283 = arith.ori %or3A_282, %ne3A_281 : i1
          %or3A_284 = arith.constant false
          %or3A_285 = arith.ori %or3A_283, %or3A_284 : i1
          %or3A_286 = arith.ori %or3A_285, %eq3A_147 : i1
          %add3A_287 = arith.constant 1 : i32
          %add3A_288 = arith.addi %while3A_137, %add3A_287 : i32
          %select_n3A_289 = arith.select %or3A_286, %add3A_288, %while3A_137 : i32
          %add3A_290 = arith.constant 1 : i32
          %add3A_291 = arith.addi %while3A_140, %add3A_290 : i32
          %select_n3A_292 = arith.constant true
          %select_n3A_293 = arith.select %select_n3A_292, %add3A_291, %while3A_140 : i32
          %eq3A_294 = arith.cmpi eq, %select_n3A_293, %select_n3A : i32
          %select_n3A_295 = arith.constant 0 : i32
          %select_n3A_296 = arith.select %eq3A_294, %select_n3A_295, %select_n3A_293 : i32
          scf.yield %select_n3A_190, %select_n3A_289, %select_n3A_251, %select_n3A_280, %select_n3A_296 : i32, i32, i32, i32, i32
        }
        %sub3A_84 = arith.constant 1 : i32
        %sub3A_85 = arith.subi %while3A_83#4, %sub3A_84 : i32
        %select_n3A_86 = arith.constant true
        %select_n3A_87 = arith.select %select_n3A_86, %sub3A_85, %while3A_83#4 : i32
        %eq3A_88 = arith.constant -1 : i32
        %eq3A_89 = arith.cmpi eq, %select_n3A_87, %eq3A_88 : i32
        %sub3A_90 = arith.constant 1 : i32
        %sub3A_91 = arith.subi %select_n3A, %sub3A_90 : i32
        %select_n3A_92 = arith.select %eq3A_89, %sub3A_91, %select_n3A_87 : i32
        %sub3A_93 = arith.constant 1 : i32
        %sub3A_94 = arith.subi %mul3A_9, %sub3A_93 : i32
        %mul3A_95 = arith.constant 1 : i32
        %mul3A_96 = arith.muli %mul3A_95, %select_n3A : i32
        %eq3A_97 = arith.constant 0 : i32
        %eq3A_98 = arith.cmpi eq, %sub3A_94, %eq3A_97 : i32
        %sub3A_99 = arith.constant 1 : i32
        %sub3A_100 = arith.subi %mul3A_96, %sub3A_99 : i32
        %eq3A_101 = arith.cmpi eq, %sub3A_94, %sub3A_100 : i32
        %add3A_102 = arith.addi %select_n3A_92, %select_n3A_7 : i32
        %sub3A_103 = arith.constant 1 : i32
        %sub3A_104 = arith.subi %select_n3A_92, %sub3A_103 : i32
        %select_n3A_105 = arith.constant true
        %select_n3A_106 = arith.select %select_n3A_105, %sub3A_104, %select_n3A_92 : i32
        %eq3A_107 = arith.constant -1 : i32
        %eq3A_108 = arith.cmpi eq, %select_n3A_106, %eq3A_107 : i32
        %sub3A_109 = arith.constant 1 : i32
        %sub3A_110 = arith.subi %select_n3A, %sub3A_109 : i32
        %select_n3A_111 = arith.select %eq3A_108, %sub3A_110, %select_n3A_106 : i32
        %add3A_112 = arith.addi %select_n3A_111, %select_n3A_7 : i32
        %add3A_113 = arith.constant 1 : i32
        %add3A_114 = arith.addi %select_n3A_92, %add3A_113 : i32
        %select_n3A_115 = arith.constant true
        %select_n3A_116 = arith.select %select_n3A_115, %add3A_114, %select_n3A_92 : i32
        %eq3A_117 = arith.cmpi eq, %select_n3A_116, %select_n3A : i32
        %select_n3A_118 = arith.constant 0 : i32
        %select_n3A_119 = arith.select %eq3A_117, %select_n3A_118, %select_n3A_116 : i32
        %add3A_120 = arith.addi %select_n3A_119, %select_n3A_7 : i32
        %add3A_121 = arith.constant 1 : i32
        %add3A_122 = arith.addi %select_n3A_119, %add3A_121 : i32
        %select_n3A_123 = arith.constant true
        %select_n3A_124 = arith.select %select_n3A_123, %add3A_122, %select_n3A_119 : i32
        %eq3A_125 = arith.cmpi eq, %select_n3A_124, %select_n3A : i32
        %select_n3A_126 = arith.constant 0 : i32
        %select_n3A_127 = arith.select %eq3A_125, %select_n3A_126, %select_n3A_124 : i32
        %add3A_128 = arith.addi %select_n3A_127, %select_n3A_7 : i32
        %convert_element_type3A_129 = arith.extui %eq3A_101 : i1 to i32
        %cond3A_130 = arith.constant 0 : i32
        %cond3A_131 = arith.cmpi ne, %convert_element_type3A_129, %cond3A_130 : i32
        scf.if %cond3A_131 {
        } else {
        }
        %convert_element_type3A_132 = arith.extui %eq3A_101 : i1 to i32
        %cond3A_133 = arith.constant 0 : i32
        %cond3A_134 = arith.cmpi ne, %convert_element_type3A_132, %cond3A_133 : i32
        scf.if %cond3A_134 {
          "tpu.trace_start"() <{level = 10 : i32, message = "ep_finalize"}> : () -> ()
          %rem3A_135 = arith.constant 2 : i32
          %rem3A_136 = arith.remui %while3A_83#3, %rem3A_135 : i32
          %mul3A_137 = arith.constant 128 : i32
          %mul3A_138 = arith.muli %mul3A_137, %add3A_102 : i32
          %dma_wait3A = arith.constant 0 : i32
          %dma_wait3A_139 = arith.constant 0 : i32
          %dma_wait3A_140 = tpu.memref_slice %run_scoped3A_11[%rem3A_136, %dma_wait3A, %dma_wait3A_139] : memref<2x128x128xf32, #tpu.memory_space<vmem>> -> memref<1x128x128xf32, #tpu.memory_space<vmem>>
          %dma_wait3A_141 = tpu.memref_squeeze %dma_wait3A_140 : memref<1x128x128xf32, #tpu.memory_space<vmem>> -> memref<128x128xf32, #tpu.memory_space<vmem>>
          %dma_wait3A_142 = arith.constant 0 : i32
          %dma_wait3A_143 = tpu.memref_slice %arg4[%mul3A_138, %dma_wait3A_142] : memref<5632x128xf32, #tpu.memory_space<hbm>> -> memref<128x128xf32, #tpu.memory_space<hbm>>
          %dma_wait3A_144 = tpu.memref_slice %run_scoped3A_12[%rem3A_136] : memref<2x!tpu.dma_semaphore, #tpu.memory_space<semaphore_mem>> -> memref<1x!tpu.dma_semaphore, #tpu.memory_space<semaphore_mem>>
          %dma_wait3A_145 = tpu.memref_squeeze %dma_wait3A_144 : memref<1x!tpu.dma_semaphore, #tpu.memory_space<semaphore_mem>> -> memref<!tpu.dma_semaphore, #tpu.memory_space<semaphore_mem>>
          %dma_wait3A_146 = arith.constant 0 : i32
          %dma_wait3A_147 = tpu.memref_slice %arg4[%mul3A_138, %dma_wait3A_146] : memref<5632x128xf32, #tpu.memory_space<hbm>> -> memref<128x128xf32, #tpu.memory_space<hbm>>
          %dma_wait3A_148 = arith.constant 0 : i32
          %dma_wait3A_149 = arith.constant 0 : i32
          %dma_wait3A_150 = tpu.memref_slice %run_scoped3A_11[%rem3A_136, %dma_wait3A_148, %dma_wait3A_149] : memref<2x128x128xf32, #tpu.memory_space<vmem>> -> memref<1x128x128xf32, #tpu.memory_space<vmem>>
          %dma_wait3A_151 = tpu.memref_squeeze %dma_wait3A_150 : memref<1x128x128xf32, #tpu.memory_space<vmem>> -> memref<128x128xf32, #tpu.memory_space<vmem>>
          tpu.wait_dma2 semaphore(%dma_wait3A_145 : memref<!tpu.dma_semaphore, #tpu.memory_space<semaphore_mem>>) src(%dma_wait3A_151 : memref<128x128xf32, #tpu.memory_space<vmem>>) dst(%dma_wait3A_147 : memref<128x128xf32, #tpu.memory_space<hbm>>)
          "tpu.trace_stop"() : () -> ()
        } else {
        }
      } else {
      }
      tpu.yield
    }) : () -> ()
    return
  }
}

module attributes {stable_mosaic.version = 14 : i64} {
  func.func @_router_kernel(%arg0: memref<128x1024xf32, #tpu.memory_space<vmem>>, %arg1: memref<1024x64xf32, #tpu.memory_space<vmem>>, %arg2: memref<704x128xf32, #tpu.memory_space<vmem>>, %arg3: memref<1x88xi32, #tpu.memory_space<vmem>>, %arg4: memref<1x1xi32, #tpu.memory_space<vmem>>, %arg5: memref<44x128xi32, #tpu.memory_space<vmem>>) attributes {dimension_semantics = [], scalar_prefetch = 0 : i64, scratch_operands = 0 : i64, tpu.core_type = #tpu.core_type<tc>} {
    %get3A = arith.constant 0 : index
    %get3A_0 = arith.constant 0 : index
    %get3A_1 = vector.load %arg0[%get3A, %get3A_0] : memref<128x1024xf32, #tpu.memory_space<vmem>>, vector<128x1024xf32>
    %get3A_2 = arith.constant 0 : index
    %get3A_3 = arith.constant 0 : index
    %get3A_4 = vector.load %arg1[%get3A_2, %get3A_3] : memref<1024x64xf32, #tpu.memory_space<vmem>>, vector<1024x64xf32>
    %dot_general3A = arith.constant dense<0.000000e+00> : vector<128x64xf32>
    %dot_general3A_5 = tpu.matmul %get3A_1, %get3A_4, %dot_general3A {dimension_numbers = #tpu.dot_dimension_numbers<[1], [0], [0], [1], [0, 0, 1, 1], [], []>, transpose_lhs_hint = false} : vector<128x1024xf32>, vector<1024x64xf32>, vector<128x64xf32> -> vector<128x64xf32>
    %reduce_max3A = arith.constant dense<0xFF800000> : vector<128xf32>
    %reduce_max3A_6 = vector.multi_reduction <maximumf>, %dot_general3A_5, %reduce_max3A [1] : vector<128x64xf32> to vector<128xf32>
    %max3A = arith.constant 0xFF800000 : f32
    %max3A_7 = vector.broadcast %max3A : f32 to vector<128xf32>
    %max3A_8 = arith.maximumf %max3A_7, %reduce_max3A_6 : vector<128xf32>
    %broadcast_in_dim3A = vector.shape_cast %max3A_8 : vector<128xf32> to vector<128x1xf32>
    %sub3A = vector.broadcast %broadcast_in_dim3A : vector<128x1xf32> to vector<128x64xf32>
    %sub3A_9 = arith.subf %dot_general3A_5, %sub3A : vector<128x64xf32>
    %exp3A = math.exp %sub3A_9 : vector<128x64xf32>
    %reduce_sum3A = arith.constant dense<0.000000e+00> : vector<128xf32>
    %reduce_sum3A_10 = vector.multi_reduction <add>, %exp3A, %reduce_sum3A [1] : vector<128x64xf32> to vector<128xf32>
    %broadcast_in_dim3A_11 = vector.shape_cast %reduce_sum3A_10 : vector<128xf32> to vector<128x1xf32>
    %div3A = vector.broadcast %broadcast_in_dim3A_11 : vector<128x1xf32> to vector<128x64xf32>
    %div3A_12 = arith.divf %exp3A, %div3A : vector<128x64xf32>
    %iota3A = tpu.iota {dimensions = array<i32: 1>} : vector<128x64xi32>
    %argmax3A = tpu.reduce_index %div3A_12 {axis = 1 : i32, kind = #tpu.reduction_kind<arg_max>} : vector<128x64xf32> -> vector<128xi32>
    %reshape3A = vector.shape_cast %argmax3A : vector<128xi32> to vector<128x1xi32>
    %eq3A = vector.broadcast %reshape3A : vector<128x1xi32> to vector<128x64xi32>
    %eq3A_13 = arith.cmpi eq, %iota3A, %eq3A : vector<128x64xi32>
    %jit3A = arith.constant 0.000000e+00 : f32
    %broadcast_in_dim3A_14 = vector.broadcast %jit3A : f32 to vector<128x64xf32>
    %select_n3A = arith.select %eq3A_13, %div3A_12, %broadcast_in_dim3A_14 : vector<128x64xi1>, vector<128x64xf32>
    %reduce_sum3A_15 = arith.constant dense<0.000000e+00> : vector<128xf32>
    %reduce_sum3A_16 = vector.multi_reduction <add>, %select_n3A, %reduce_sum3A_15 [1] : vector<128x64xf32> to vector<128xf32>
    %reshape3A_17 = vector.shape_cast %reduce_sum3A_16 : vector<128xf32> to vector<128x1xf32>
    %jit3A_18 = arith.constant -1.000000e+00 : f32
    %broadcast_in_dim3A_19 = vector.broadcast %jit3A_18 : f32 to vector<128x64xf32>
    %select_n3A_20 = arith.select %eq3A_13, %broadcast_in_dim3A_19, %div3A_12 : vector<128x64xi1>, vector<128x64xf32>
    %argmax3A_21 = tpu.reduce_index %select_n3A_20 {axis = 1 : i32, kind = #tpu.reduction_kind<arg_max>} : vector<128x64xf32> -> vector<128xi32>
    %reshape3A_22 = vector.shape_cast %argmax3A_21 : vector<128xi32> to vector<128x1xi32>
    %eq3A_23 = vector.broadcast %reshape3A_22 : vector<128x1xi32> to vector<128x64xi32>
    %eq3A_24 = arith.cmpi eq, %iota3A, %eq3A_23 : vector<128x64xi32>
    %jit3A_25 = arith.constant 0.000000e+00 : f32
    %broadcast_in_dim3A_26 = vector.broadcast %jit3A_25 : f32 to vector<128x64xf32>
    %select_n3A_27 = arith.select %eq3A_24, %select_n3A_20, %broadcast_in_dim3A_26 : vector<128x64xi1>, vector<128x64xf32>
    %reduce_sum3A_28 = arith.constant dense<0.000000e+00> : vector<128xf32>
    %reduce_sum3A_29 = vector.multi_reduction <add>, %select_n3A_27, %reduce_sum3A_28 [1] : vector<128x64xf32> to vector<128xf32>
    %reshape3A_30 = vector.shape_cast %reduce_sum3A_29 : vector<128xf32> to vector<128x1xf32>
    %add3A = arith.addf %reshape3A_17, %reshape3A_30 : vector<128x1xf32>
    %div3A_31 = arith.divf %reshape3A_17, %add3A : vector<128x1xf32>
    %div3A_32 = arith.divf %reshape3A_30, %add3A : vector<128x1xf32>
    %concatenate3A = tpu.concatenate %reshape3A, %reshape3A_22 in 0 : vector<128x1xi32>, vector<128x1xi32> -> vector<256x1xi32>
    %concatenate3A_33 = tpu.concatenate %div3A_31, %div3A_32 in 0 : vector<128x1xf32>, vector<128x1xf32> -> vector<256x1xf32>
    %iota3A_34 = tpu.iota {dimensions = array<i32: 1>} : vector<256x64xi32>
    %eq3A_35 = vector.broadcast %concatenate3A : vector<256x1xi32> to vector<256x64xi32>
    %eq3A_36 = arith.cmpi eq, %iota3A_34, %eq3A_35 : vector<256x64xi32>
    %convert_element_type3A = arith.extui %eq3A_36 : vector<256x64xi1> to vector<256x64xi32>
    %convert_element_type3A_37 = arith.sitofp %convert_element_type3A : vector<256x64xi32> to vector<256x64xf32>
    %iota3A_38 = tpu.iota {dimensions = array<i32: 0>} : vector<256x256xi32>
    %iota3A_39 = tpu.iota {dimensions = array<i32: 1>} : vector<256x256xi32>
    %lt3A = arith.cmpi slt, %iota3A_39, %iota3A_38 : vector<256x256xi32>
    %convert_element_type3A_40 = arith.extui %lt3A : vector<256x256xi1> to vector<256x256xi32>
    %convert_element_type3A_41 = arith.sitofp %convert_element_type3A_40 : vector<256x256xi32> to vector<256x256xf32>
    %dot_general3A_42 = arith.constant dense<0.000000e+00> : vector<256x64xf32>
    %dot_general3A_43 = tpu.matmul %convert_element_type3A_41, %convert_element_type3A_37, %dot_general3A_42 {dimension_numbers = #tpu.dot_dimension_numbers<[1], [0], [0], [1], [0, 0, 1, 1], [], []>, transpose_lhs_hint = false} : vector<256x256xf32>, vector<256x64xf32>, vector<256x64xf32> -> vector<256x64xf32>
    %mul3A = arith.mulf %dot_general3A_43, %convert_element_type3A_37 : vector<256x64xf32>
    %reduce_sum3A_44 = arith.constant dense<0.000000e+00> : vector<256xf32>
    %reduce_sum3A_45 = vector.multi_reduction <add>, %mul3A, %reduce_sum3A_44 [1] : vector<256x64xf32> to vector<256xf32>
    %reshape3A_46 = vector.shape_cast %reduce_sum3A_45 : vector<256xf32> to vector<256x1xf32>
    %reduce_sum3A_47 = arith.constant dense<0.000000e+00> : vector<64xf32>
    %reduce_sum3A_48 = vector.multi_reduction <add>, %convert_element_type3A_37, %reduce_sum3A_47 [0] : vector<256x64xf32> to vector<64xf32>
    %reshape3A_49 = vector.shape_cast %reduce_sum3A_48 : vector<64xf32> to vector<1x64xf32>
    %add3A_50 = arith.constant 7.000000e+00 : f32
    %add3A_51 = vector.broadcast %add3A_50 : f32 to vector<1x64xf32>
    %add3A_52 = arith.addf %reshape3A_49, %add3A_51 : vector<1x64xf32>
    %mul3A_53 = arith.constant 1.250000e-01 : f32
    %mul3A_54 = vector.broadcast %mul3A_53 : f32 to vector<1x64xf32>
    %mul3A_55 = arith.mulf %add3A_52, %mul3A_54 : vector<1x64xf32>
    %floor3A = math.floor %mul3A_55 : vector<1x64xf32>
    %iota3A_56 = tpu.iota {dimensions = array<i32: 0>} : vector<64x64xi32>
    %iota3A_57 = tpu.iota {dimensions = array<i32: 1>} : vector<64x64xi32>
    %lt3A_58 = arith.cmpi slt, %iota3A_56, %iota3A_57 : vector<64x64xi32>
    %convert_element_type3A_59 = arith.extui %lt3A_58 : vector<64x64xi1> to vector<64x64xi32>
    %convert_element_type3A_60 = arith.sitofp %convert_element_type3A_59 : vector<64x64xi32> to vector<64x64xf32>
    %dot_general3A_61 = arith.constant dense<0.000000e+00> : vector<1x64xf32>
    %dot_general3A_62 = tpu.matmul %floor3A, %convert_element_type3A_60, %dot_general3A_61 {dimension_numbers = #tpu.dot_dimension_numbers<[1], [0], [0], [1], [0, 0, 1, 1], [], []>, transpose_lhs_hint = false} : vector<1x64xf32>, vector<64x64xf32>, vector<1x64xf32> -> vector<1x64xf32>
    %add3A_63 = arith.addf %dot_general3A_62, %floor3A : vector<1x64xf32>
    %reshape3A_64 = vector.shape_cast %dot_general3A_62 : vector<1x64xf32> to vector<64x1xf32>
    %dot_general3A_65 = arith.constant dense<0.000000e+00> : vector<256x1xf32>
    %dot_general3A_66 = tpu.matmul %convert_element_type3A_37, %reshape3A_64, %dot_general3A_65 {dimension_numbers = #tpu.dot_dimension_numbers<[1], [0], [0], [1], [0, 0, 1, 1], [], []>, transpose_lhs_hint = false} : vector<256x64xf32>, vector<64x1xf32>, vector<256x1xf32> -> vector<256x1xf32>
    %mul3A_67 = arith.constant 8.000000e+00 : f32
    %mul3A_68 = vector.broadcast %mul3A_67 : f32 to vector<256x1xf32>
    %mul3A_69 = arith.mulf %dot_general3A_66, %mul3A_68 : vector<256x1xf32>
    %add3A_70 = arith.addf %mul3A_69, %reshape3A_46 : vector<256x1xf32>
    %iota3A_71 = tpu.iota {dimensions = array<i32: 1>} : vector<64x88xi32>
    %reshape3A_72 = vector.shape_cast %add3A_63 : vector<1x64xf32> to vector<64x1xf32>
    %convert_element_type3A_73 = arith.fptosi %reshape3A_72 : vector<64x1xf32> to vector<64x1xi32>
    %le3A = vector.broadcast %convert_element_type3A_73 : vector<64x1xi32> to vector<64x88xi32>
    %le3A_74 = arith.cmpi sle, %le3A, %iota3A_71 : vector<64x88xi32>
    %convert_element_type3A_75 = arith.extui %le3A_74 : vector<64x88xi1> to vector<64x88xi32>
    %reduce_sum3A_76 = arith.constant dense<0> : vector<88xi32>
    %reduce_sum3A_77 = vector.multi_reduction <add>, %convert_element_type3A_75, %reduce_sum3A_76 [0] : vector<64x88xi32> to vector<88xi32>
    %reshape3A_78 = vector.shape_cast %reduce_sum3A_77 : vector<88xi32> to vector<1x88xi32>
    %min3A = arith.constant 63 : i32
    %min3A_79 = vector.broadcast %min3A : i32 to vector<1x88xi32>
    %min3A_80 = arith.minsi %reshape3A_78, %min3A_79 : vector<1x88xi32>
    %swap3A = arith.constant 0 : index
    %swap3A_81 = arith.constant 0 : index
    %swap3A_82 = vector.load %arg3[%swap3A, %swap3A_81] : memref<1x88xi32, #tpu.memory_space<vmem>>, vector<1x88xi32>
    tpu.vector_store %arg3[%swap3A, %swap3A_81], %min3A_80 {strides = array<i32>} : memref<1x88xi32, #tpu.memory_space<vmem>>, vector<1x88xi32>,
    %slice3A = vector.extract_strided_slice %add3A_63 {offsets = [0, 63], sizes = [1, 1], strides = [1, 1]} : vector<1x64xf32> to vector<1x1xf32>
    %convert_element_type3A_83 = arith.fptosi %slice3A : vector<1x1xf32> to vector<1x1xi32>
    %swap3A_84 = arith.constant 0 : index
    %swap3A_85 = arith.constant 0 : index
    %swap3A_86 = vector.load %arg4[%swap3A_84, %swap3A_85] : memref<1x1xi32, #tpu.memory_space<vmem>>, vector<1x1xi32>
    tpu.vector_store %arg4[%swap3A_84, %swap3A_85], %convert_element_type3A_83 {strides = array<i32>} : memref<1x1xi32, #tpu.memory_space<vmem>>, vector<1x1xi32>,
    %iota3A_87 = tpu.iota {dimensions = array<i32: 0>} : vector<704x256xi32>
    %convert_element_type3A_88 = arith.fptosi %add3A_70 : vector<256x1xf32> to vector<256x1xi32>
    %reshape3A_89 = vector.shape_cast %convert_element_type3A_88 : vector<256x1xi32> to vector<1x256xi32>
    %eq3A_90 = vector.broadcast %reshape3A_89 : vector<1x256xi32> to vector<704x256xi32>
    %eq3A_91 = arith.cmpi eq, %iota3A_87, %eq3A_90 : vector<704x256xi32>
    %convert_element_type3A_92 = arith.extui %eq3A_91 : vector<704x256xi1> to vector<704x256xi32>
    %convert_element_type3A_93 = arith.sitofp %convert_element_type3A_92 : vector<704x256xi32> to vector<704x256xf32>
    %reshape3A_94 = vector.shape_cast %concatenate3A_33 : vector<256x1xf32> to vector<1x256xf32>
    %mul3A_95 = vector.broadcast %reshape3A_94 : vector<1x256xf32> to vector<704x256xf32>
    %mul3A_96 = arith.mulf %convert_element_type3A_93, %mul3A_95 : vector<704x256xf32>
    %slice3A_97 = vector.extract_strided_slice %mul3A_96 {offsets = [0, 0], sizes = [704, 128], strides = [1, 1]} : vector<704x256xf32> to vector<704x128xf32>
    %slice3A_98 = vector.extract_strided_slice %mul3A_96 {offsets = [0, 128], sizes = [704, 128], strides = [1, 1]} : vector<704x256xf32> to vector<704x128xf32>
    %add3A_99 = arith.addf %slice3A_97, %slice3A_98 : vector<704x128xf32>
    %swap3A_100 = arith.constant 0 : index
    %swap3A_101 = arith.constant 0 : index
    %swap3A_102 = vector.load %arg2[%swap3A_100, %swap3A_101] : memref<704x128xf32, #tpu.memory_space<vmem>>, vector<704x128xf32>
    tpu.vector_store %arg2[%swap3A_100, %swap3A_101], %add3A_99 {strides = array<i32>} : memref<704x128xf32, #tpu.memory_space<vmem>>, vector<704x128xf32>,
    %reshape3A_103 = vector.shape_cast %convert_element_type3A_88 : vector<256x1xi32> to vector<1x256xi32>
    %iota3A_104 = tpu.iota {dimensions = array<i32: 1>} : vector<1x256xi32>
    %jit3A_105 = arith.constant 128 : i32
    %eq3A_106 = arith.constant 0 : i32
    %eq3A_107 = arith.cmpi eq, %jit3A_105, %eq3A_106 : i32
    %jit3A_108 = arith.constant 1 : i32
    %select_n3A_109 = arith.select %eq3A_107, %jit3A_108, %jit3A_105 : i32
    %rem3A = vector.broadcast %select_n3A_109 : i32 to vector<1x256xi32>
    %rem3A_110 = arith.remsi %iota3A_104, %rem3A : vector<1x256xi32>
    %ne3A = arith.constant 0 : i32
    %ne3A_111 = vector.broadcast %ne3A : i32 to vector<1x256xi32>
    %ne3A_112 = arith.cmpi ne, %rem3A_110, %ne3A_111 : vector<1x256xi32>
    %lt3A_113 = arith.constant 0 : i32
    %lt3A_114 = vector.broadcast %lt3A_113 : i32 to vector<1x256xi32>
    %lt3A_115 = arith.cmpi slt, %rem3A_110, %lt3A_114 : vector<1x256xi32>
    %lt3A_116 = arith.constant 0 : i32
    %lt3A_117 = arith.cmpi slt, %select_n3A_109, %lt3A_116 : i32
    %ne3A_118 = vector.broadcast %lt3A_117 : i1 to vector<1x256xi1>
    %ne3A_119 = vector.broadcast %ne3A_118 : vector<1x256xi1> to vector<1x256xi1>
    %ne3A_120 = arith.xori %lt3A_115, %ne3A_119 : vector<1x256xi1>
    %and3A = arith.andi %ne3A_120, %ne3A_112 : vector<1x256xi1>
    %add3A_121 = vector.broadcast %select_n3A_109 : i32 to vector<1x256xi32>
    %add3A_122 = arith.addi %rem3A_110, %add3A_121 : vector<1x256xi32>
    %select_n3A_123 = arith.select %and3A, %add3A_122, %rem3A_110 : vector<1x256xi1>, vector<1x256xi32>
    %iota3A_124 = tpu.iota {dimensions = array<i32: 0>} : vector<44x256xi32>
    %jit3A_125 = arith.constant 16 : i32
    %div3A_126 = vector.broadcast %jit3A_125 : i32 to vector<1x256xi32>
    %div3A_127 = arith.divsi %reshape3A_103, %div3A_126 : vector<1x256xi32>
    %sign3A = arith.constant 0 : i32
    %sign3A_128 = vector.broadcast %sign3A : i32 to vector<1x256xi32>
    %sign3A_129 = arith.cmpi sgt, %reshape3A_103, %sign3A_128 : vector<1x256xi32>
    %sign3A_130 = arith.extui %sign3A_129 : vector<1x256xi1> to vector<1x256xi32>
    %sign3A_131 = arith.constant 0 : i32
    %sign3A_132 = vector.broadcast %sign3A_131 : i32 to vector<1x256xi32>
    %sign3A_133 = arith.cmpi slt, %reshape3A_103, %sign3A_132 : vector<1x256xi32>
    %sign3A_134 = arith.extui %sign3A_133 : vector<1x256xi1> to vector<1x256xi32>
    %sign3A_135 = arith.subi %sign3A_130, %sign3A_134 : vector<1x256xi32>
    %sign3A_136 = arith.constant 0 : i32
    %sign3A_137 = arith.cmpi sgt, %jit3A_125, %sign3A_136 : i32
    %sign3A_138 = arith.extui %sign3A_137 : i1 to i32
    %sign3A_139 = arith.constant 0 : i32
    %sign3A_140 = arith.cmpi slt, %jit3A_125, %sign3A_139 : i32
    %sign3A_141 = arith.extui %sign3A_140 : i1 to i32
    %sign3A_142 = arith.subi %sign3A_138, %sign3A_141 : i32
    %ne3A_143 = vector.broadcast %sign3A_142 : i32 to vector<1x256xi32>
    %ne3A_144 = arith.cmpi ne, %sign3A_135, %ne3A_143 : vector<1x256xi32>
    %rem3A_145 = vector.broadcast %jit3A_125 : i32 to vector<1x256xi32>
    %rem3A_146 = arith.remsi %reshape3A_103, %rem3A_145 : vector<1x256xi32>
    %ne3A_147 = arith.constant 0 : i32
    %ne3A_148 = vector.broadcast %ne3A_147 : i32 to vector<1x256xi32>
    %ne3A_149 = arith.cmpi ne, %rem3A_146, %ne3A_148 : vector<1x256xi32>
    %and3A_150 = arith.andi %ne3A_144, %ne3A_149 : vector<1x256xi1>
    %sub3A_151 = arith.constant 1 : i32
    %sub3A_152 = vector.broadcast %sub3A_151 : i32 to vector<1x256xi32>
    %sub3A_153 = arith.subi %div3A_127, %sub3A_152 : vector<1x256xi32>
    %select_n3A_154 = arith.select %and3A_150, %sub3A_153, %div3A_127 : vector<1x256xi1>, vector<1x256xi32>
    %eq3A_155 = vector.broadcast %select_n3A_154 : vector<1x256xi32> to vector<44x256xi32>
    %eq3A_156 = arith.cmpi eq, %iota3A_124, %eq3A_155 : vector<44x256xi32>
    %add3A_157 = arith.constant 1 : i32
    %add3A_158 = vector.broadcast %add3A_157 : i32 to vector<1x256xi32>
    %add3A_159 = arith.addi %select_n3A_123, %add3A_158 : vector<1x256xi32>
    %convert_element_type3A_160 = arith.sitofp %add3A_159 : vector<1x256xi32> to vector<1x256xf32>
    %jit3A_161 = arith.constant 0.000000e+00 : f32
    %broadcast_in_dim3A_162 = vector.shape_cast %convert_element_type3A_160 : vector<1x256xf32> to vector<1x256xf32>
    %broadcast_in_dim3A_163 = vector.broadcast %broadcast_in_dim3A_162 : vector<1x256xf32> to vector<44x256xf32>
    %broadcast_in_dim3A_164 = vector.broadcast %jit3A_161 : f32 to vector<44x256xf32>
    %select_n3A_165 = arith.select %eq3A_156, %broadcast_in_dim3A_163, %broadcast_in_dim3A_164 : vector<44x256xi1>, vector<44x256xf32>
    %iota3A_166 = tpu.iota {dimensions = array<i32: 1>} : vector<256x128xi32>
    %jit3A_167 = arith.constant 8 : i32
    %div3A_168 = vector.broadcast %jit3A_167 : i32 to vector<256x128xi32>
    %div3A_169 = arith.divsi %iota3A_166, %div3A_168 : vector<256x128xi32>
    %sign3A_170 = arith.constant 0 : i32
    %sign3A_171 = vector.broadcast %sign3A_170 : i32 to vector<256x128xi32>
    %sign3A_172 = arith.cmpi sgt, %iota3A_166, %sign3A_171 : vector<256x128xi32>
    %sign3A_173 = arith.extui %sign3A_172 : vector<256x128xi1> to vector<256x128xi32>
    %sign3A_174 = arith.constant 0 : i32
    %sign3A_175 = vector.broadcast %sign3A_174 : i32 to vector<256x128xi32>
    %sign3A_176 = arith.cmpi slt, %iota3A_166, %sign3A_175 : vector<256x128xi32>
    %sign3A_177 = arith.extui %sign3A_176 : vector<256x128xi1> to vector<256x128xi32>
    %sign3A_178 = arith.subi %sign3A_173, %sign3A_177 : vector<256x128xi32>
    %sign3A_179 = arith.constant 0 : i32
    %sign3A_180 = arith.cmpi sgt, %jit3A_167, %sign3A_179 : i32
    %sign3A_181 = arith.extui %sign3A_180 : i1 to i32
    %sign3A_182 = arith.constant 0 : i32
    %sign3A_183 = arith.cmpi slt, %jit3A_167, %sign3A_182 : i32
    %sign3A_184 = arith.extui %sign3A_183 : i1 to i32
    %sign3A_185 = arith.subi %sign3A_181, %sign3A_184 : i32
    %ne3A_186 = vector.broadcast %sign3A_185 : i32 to vector<256x128xi32>
    %ne3A_187 = arith.cmpi ne, %sign3A_178, %ne3A_186 : vector<256x128xi32>
    %rem3A_188 = vector.broadcast %jit3A_167 : i32 to vector<256x128xi32>
    %rem3A_189 = arith.remsi %iota3A_166, %rem3A_188 : vector<256x128xi32>
    %ne3A_190 = arith.constant 0 : i32
    %ne3A_191 = vector.broadcast %ne3A_190 : i32 to vector<256x128xi32>
    %ne3A_192 = arith.cmpi ne, %rem3A_189, %ne3A_191 : vector<256x128xi32>
    %and3A_193 = arith.andi %ne3A_187, %ne3A_192 : vector<256x128xi1>
    %sub3A_194 = arith.constant 1 : i32
    %sub3A_195 = vector.broadcast %sub3A_194 : i32 to vector<256x128xi32>
    %sub3A_196 = arith.subi %div3A_169, %sub3A_195 : vector<256x128xi32>
    %select_n3A_197 = arith.select %and3A_193, %sub3A_196, %div3A_169 : vector<256x128xi1>, vector<256x128xi32>
    %jit3A_198 = arith.constant 16 : i32
    %eq3A_199 = arith.constant 0 : i32
    %eq3A_200 = arith.cmpi eq, %jit3A_198, %eq3A_199 : i32
    %jit3A_201 = arith.constant 1 : i32
    %select_n3A_202 = arith.select %eq3A_200, %jit3A_201, %jit3A_198 : i32
    %rem3A_203 = vector.broadcast %select_n3A_202 : i32 to vector<256x1xi32>
    %rem3A_204 = arith.remsi %convert_element_type3A_88, %rem3A_203 : vector<256x1xi32>
    %ne3A_205 = arith.constant 0 : i32
    %ne3A_206 = vector.broadcast %ne3A_205 : i32 to vector<256x1xi32>
    %ne3A_207 = arith.cmpi ne, %rem3A_204, %ne3A_206 : vector<256x1xi32>
    %lt3A_208 = arith.constant 0 : i32
    %lt3A_209 = vector.broadcast %lt3A_208 : i32 to vector<256x1xi32>
    %lt3A_210 = arith.cmpi slt, %rem3A_204, %lt3A_209 : vector<256x1xi32>
    %lt3A_211 = arith.constant 0 : i32
    %lt3A_212 = arith.cmpi slt, %select_n3A_202, %lt3A_211 : i32
    %ne3A_213 = vector.broadcast %lt3A_212 : i1 to vector<256x1xi1>
    %ne3A_214 = vector.broadcast %ne3A_213 : vector<256x1xi1> to vector<256x1xi1>
    %ne3A_215 = arith.xori %lt3A_210, %ne3A_214 : vector<256x1xi1>
    %and3A_216 = arith.andi %ne3A_215, %ne3A_207 : vector<256x1xi1>
    %add3A_217 = vector.broadcast %select_n3A_202 : i32 to vector<256x1xi32>
    %add3A_218 = arith.addi %rem3A_204, %add3A_217 : vector<256x1xi32>
    %select_n3A_219 = arith.select %and3A_216, %add3A_218, %rem3A_204 : vector<256x1xi1>, vector<256x1xi32>
    %eq3A_220 = vector.broadcast %select_n3A_219 : vector<256x1xi32> to vector<256x128xi32>
    %eq3A_221 = arith.cmpi eq, %select_n3A_197, %eq3A_220 : vector<256x128xi32>
    %convert_element_type3A_222 = arith.extui %eq3A_221 : vector<256x128xi1> to vector<256x128xi32>
    %convert_element_type3A_223 = arith.sitofp %convert_element_type3A_222 : vector<256x128xi32> to vector<256x128xf32>
    %dot_general3A_224 = arith.constant dense<0.000000e+00> : vector<44x128xf32>
    %dot_general3A_225 = tpu.matmul %select_n3A_165, %convert_element_type3A_223, %dot_general3A_224 {dimension_numbers = #tpu.dot_dimension_numbers<[1], [0], [0], [1], [0, 0, 1, 1], [], []>, transpose_lhs_hint = false} : vector<44x256xf32>, vector<256x128xf32>, vector<44x128xf32> -> vector<44x128xf32>
    %iota3A_226 = tpu.iota {dimensions = array<i32: 1>} : vector<44x128xi32>
    %jit3A_227 = arith.constant 8 : i32
    %eq3A_228 = arith.constant 0 : i32
    %eq3A_229 = arith.cmpi eq, %jit3A_227, %eq3A_228 : i32
    %jit3A_230 = arith.constant 1 : i32
    %select_n3A_231 = arith.select %eq3A_229, %jit3A_230, %jit3A_227 : i32
    %rem3A_232 = vector.broadcast %select_n3A_231 : i32 to vector<44x128xi32>
    %rem3A_233 = arith.remsi %iota3A_226, %rem3A_232 : vector<44x128xi32>
    %ne3A_234 = arith.constant 0 : i32
    %ne3A_235 = vector.broadcast %ne3A_234 : i32 to vector<44x128xi32>
    %ne3A_236 = arith.cmpi ne, %rem3A_233, %ne3A_235 : vector<44x128xi32>
    %lt3A_237 = arith.constant 0 : i32
    %lt3A_238 = vector.broadcast %lt3A_237 : i32 to vector<44x128xi32>
    %lt3A_239 = arith.cmpi slt, %rem3A_233, %lt3A_238 : vector<44x128xi32>
    %lt3A_240 = arith.constant 0 : i32
    %lt3A_241 = arith.cmpi slt, %select_n3A_231, %lt3A_240 : i32
    %ne3A_242 = vector.broadcast %lt3A_241 : i1 to vector<44x128xi1>
    %ne3A_243 = vector.broadcast %ne3A_242 : vector<44x128xi1> to vector<44x128xi1>
    %ne3A_244 = arith.xori %lt3A_239, %ne3A_243 : vector<44x128xi1>
    %and3A_245 = arith.andi %ne3A_244, %ne3A_236 : vector<44x128xi1>
    %add3A_246 = vector.broadcast %select_n3A_231 : i32 to vector<44x128xi32>
    %add3A_247 = arith.addi %rem3A_233, %add3A_246 : vector<44x128xi32>
    %select_n3A_248 = arith.select %and3A_245, %add3A_247, %rem3A_233 : vector<44x128xi1>, vector<44x128xi32>
    %eq3A_249 = arith.constant 0.000000e+00 : f32
    %eq3A_250 = vector.broadcast %eq3A_249 : f32 to vector<44x128xf32>
    %eq3A_251 = arith.cmpf oeq, %dot_general3A_225, %eq3A_250 : vector<44x128xf32>
    %sub3A_252 = arith.constant 1.000000e+00 : f32
    %sub3A_253 = vector.broadcast %sub3A_252 : f32 to vector<44x128xf32>
    %sub3A_254 = arith.subf %dot_general3A_225, %sub3A_253 : vector<44x128xf32>
    %mul3A_255 = arith.constant 8.000000e+00 : f32
    %mul3A_256 = vector.broadcast %mul3A_255 : f32 to vector<44x128xf32>
    %mul3A_257 = arith.mulf %sub3A_254, %mul3A_256 : vector<44x128xf32>
    %jit3A_258 = arith.constant 1.024000e+03 : f32
    %broadcast_in_dim3A_259 = vector.broadcast %jit3A_258 : f32 to vector<44x128xf32>
    %select_n3A_260 = arith.select %eq3A_251, %broadcast_in_dim3A_259, %mul3A_257 : vector<44x128xi1>, vector<44x128xf32>
    %convert_element_type3A_261 = arith.fptosi %select_n3A_260 : vector<44x128xf32> to vector<44x128xi32>
    %add3A_262 = arith.addi %convert_element_type3A_261, %select_n3A_248 : vector<44x128xi32>
    %swap3A_263 = arith.constant 0 : index
    %swap3A_264 = arith.constant 0 : index
    %swap3A_265 = vector.load %arg5[%swap3A_263, %swap3A_264] : memref<44x128xi32, #tpu.memory_space<vmem>>, vector<44x128xi32>
    tpu.vector_store %arg5[%swap3A_263, %swap3A_264], %add3A_262 {strides = array<i32>} : memref<44x128xi32, #tpu.memory_space<vmem>>, vector<44x128xi32>,
    return
  }
}

module attributes {stable_mosaic.version = 14 : i64} {
  func.func @_moe_kernel(%arg0: i32, %arg1: memref<88xi32, #tpu.memory_space<smem>>, %arg2: memref<1xi32, #tpu.memory_space<smem>>, %arg3: memref<8x1024xf32, #tpu.memory_space<vmem>>, %arg4: memref<1x1024x768xf32, #tpu.memory_space<vmem>>, %arg5: memref<1x1024x768xf32, #tpu.memory_space<vmem>>, %arg6: memref<1x768x1024xf32, #tpu.memory_space<vmem>>, %arg7: memref<8x128xf32, #tpu.memory_space<vmem>>, %arg8: memref<128x1024xf32, #tpu.memory_space<vmem>>) attributes {dimension_semantics = [#tpu.dimension_semantics<arbitrary>], iteration_bounds = array<i64: 88>, scalar_prefetch = 2 : i64, scratch_operands = 0 : i64, tpu.core_type = #tpu.core_type<tc>, window_params = [{transform_indices = @transform_0, window_bounds = array<i64: 8, 1024>}, {transform_indices = @transform_1, window_bounds = array<i64: 1, 1024, 768>}, {transform_indices = @transform_2, window_bounds = array<i64: 1, 1024, 768>}, {transform_indices = @transform_3, window_bounds = array<i64: 1, 768, 1024>}, {transform_indices = @transform_4, window_bounds = array<i64: 8, 128>}, {pipeline_mode = #tpu.pipeline_mode<synchronous>, transform_indices = @transform_5, window_bounds = array<i64: 128, 1024>}]} {
    %eq3A = arith.constant 0 : i32
    %eq3A_0 = arith.cmpi eq, %arg0, %eq3A : i32
    %convert_element_type3A = arith.extui %eq3A_0 : i1 to i32
    %cond3A = arith.constant 0 : i32
    %cond3A_1 = arith.cmpi ne, %convert_element_type3A, %cond3A : i32
    scf.if %cond3A_1 {
      %broadcast_in_dim3A = arith.constant 0.000000e+00 : f32
      %broadcast_in_dim3A_6 = vector.broadcast %broadcast_in_dim3A : f32 to vector<128x1024xf32>
      %swap3A = arith.constant 0 : index
      %swap3A_7 = arith.constant 0 : index
      %swap3A_8 = vector.load %arg8[%swap3A, %swap3A_7] : memref<128x1024xf32, #tpu.memory_space<vmem>>, vector<128x1024xf32>
      tpu.vector_store %arg8[%swap3A, %swap3A_7], %broadcast_in_dim3A_6 {strides = array<i32>} : memref<128x1024xf32, #tpu.memory_space<vmem>>, vector<128x1024xf32>,
    } else {
    }
    %get3A = arith.constant 0 : index
    %get3A_2 = memref.load %arg2[%get3A] : memref<1xi32, #tpu.memory_space<smem>>
    %lt3A = arith.cmpi slt, %arg0, %get3A_2 : i32
    %convert_element_type3A_3 = arith.extui %lt3A : i1 to i32
    %cond3A_4 = arith.constant 0 : i32
    %cond3A_5 = arith.cmpi ne, %convert_element_type3A_3, %cond3A_4 : i32
    scf.if %cond3A_5 {
      %get3A_6 = arith.constant 0 : index
      %get3A_7 = arith.constant 0 : index
      %get3A_8 = vector.load %arg3[%get3A_6, %get3A_7] : memref<8x1024xf32, #tpu.memory_space<vmem>>, vector<8x1024xf32>
      %get3A_9 = arith.constant 0 : index
      %get3A_10 = arith.constant 0 : index
      %get3A_11 = arith.constant 0 : index
      %get3A_12 = vector.load %arg4[%get3A_9, %get3A_10, %get3A_11] : memref<1x1024x768xf32, #tpu.memory_space<vmem>>, vector<1x1024x768xf32>
      %get3A_13 = vector.shape_cast %get3A_12 : vector<1x1024x768xf32> to vector<1024x768xf32>
      %dot_general3A = arith.constant dense<0.000000e+00> : vector<8x768xf32>
      %dot_general3A_14 = tpu.matmul %get3A_8, %get3A_13, %dot_general3A {dimension_numbers = #tpu.dot_dimension_numbers<[1], [0], [0], [1], [0, 0, 1, 1], [], []>, transpose_lhs_hint = false} : vector<8x1024xf32>, vector<1024x768xf32>, vector<8x768xf32> -> vector<8x768xf32>
      %get3A_15 = arith.constant 0 : index
      %get3A_16 = arith.constant 0 : index
      %get3A_17 = arith.constant 0 : index
      %get3A_18 = vector.load %arg5[%get3A_15, %get3A_16, %get3A_17] : memref<1x1024x768xf32, #tpu.memory_space<vmem>>, vector<1x1024x768xf32>
      %get3A_19 = vector.shape_cast %get3A_18 : vector<1x1024x768xf32> to vector<1024x768xf32>
      %dot_general3A_20 = arith.constant dense<0.000000e+00> : vector<8x768xf32>
      %dot_general3A_21 = tpu.matmul %get3A_8, %get3A_19, %dot_general3A_20 {dimension_numbers = #tpu.dot_dimension_numbers<[1], [0], [0], [1], [0, 0, 1, 1], [], []>, transpose_lhs_hint = false} : vector<8x1024xf32>, vector<1024x768xf32>, vector<8x768xf32> -> vector<8x768xf32>
      %logistic3A = arith.negf %dot_general3A_14 : vector<8x768xf32>
      %logistic3A_22 = math.exp %logistic3A : vector<8x768xf32>
      %logistic3A_23 = arith.constant 1.000000e+00 : f32
      %logistic3A_24 = vector.broadcast %logistic3A_23 : f32 to vector<8x768xf32>
      %logistic3A_25 = arith.addf %logistic3A_24, %logistic3A_22 : vector<8x768xf32>
      %logistic3A_26 = arith.divf %logistic3A_24, %logistic3A_25 : vector<8x768xf32>
      %mul3A = arith.mulf %dot_general3A_14, %logistic3A_26 : vector<8x768xf32>
      %mul3A_27 = arith.mulf %mul3A, %dot_general3A_21 : vector<8x768xf32>
      %get3A_28 = arith.constant 0 : index
      %get3A_29 = arith.constant 0 : index
      %get3A_30 = arith.constant 0 : index
      %get3A_31 = vector.load %arg6[%get3A_28, %get3A_29, %get3A_30] : memref<1x768x1024xf32, #tpu.memory_space<vmem>>, vector<1x768x1024xf32>
      %get3A_32 = vector.shape_cast %get3A_31 : vector<1x768x1024xf32> to vector<768x1024xf32>
      %dot_general3A_33 = arith.constant dense<0.000000e+00> : vector<8x1024xf32>
      %dot_general3A_34 = tpu.matmul %mul3A_27, %get3A_32, %dot_general3A_33 {dimension_numbers = #tpu.dot_dimension_numbers<[1], [0], [0], [1], [0, 0, 1, 1], [], []>, transpose_lhs_hint = false} : vector<8x768xf32>, vector<768x1024xf32>, vector<8x1024xf32> -> vector<8x1024xf32>
      %get3A_35 = arith.constant 0 : index
      %get3A_36 = arith.constant 0 : index
      %get3A_37 = vector.load %arg7[%get3A_35, %get3A_36] : memref<8x128xf32, #tpu.memory_space<vmem>>, vector<8x128xf32>
      %get3A_38 = arith.constant 0 : index
      %get3A_39 = arith.constant 0 : index
      %get3A_40 = vector.load %arg8[%get3A_38, %get3A_39] : memref<128x1024xf32, #tpu.memory_space<vmem>>, vector<128x1024xf32>
      %dot_general3A_41 = arith.constant dense<0.000000e+00> : vector<128x1024xf32>
      %dot_general3A_42 = tpu.matmul %get3A_37, %dot_general3A_34, %dot_general3A_41 {dimension_numbers = #tpu.dot_dimension_numbers<[0], [0], [1], [1], [0, 1, 1, 1], [], []>, transpose_lhs_hint = false} : vector<8x128xf32>, vector<8x1024xf32>, vector<128x1024xf32> -> vector<128x1024xf32>
      %add3A = arith.addf %get3A_40, %dot_general3A_42 : vector<128x1024xf32>
      %swap3A = arith.constant 0 : index
      %swap3A_43 = arith.constant 0 : index
      %swap3A_44 = vector.load %arg8[%swap3A, %swap3A_43] : memref<128x1024xf32, #tpu.memory_space<vmem>>, vector<128x1024xf32>
      tpu.vector_store %arg8[%swap3A, %swap3A_43], %add3A {strides = array<i32>} : memref<128x1024xf32, #tpu.memory_space<vmem>>, vector<128x1024xf32>,
    } else {
    }
    return
  }
  func.func @transform_0(%arg0: i32, %arg1: memref<88xi32, #tpu.memory_space<smem>>, %arg2: memref<1xi32, #tpu.memory_space<smem>>) -> (i32, i32) {
    %c0_i32 = arith.constant 0 : i32
    %c0_i32_0 = arith.constant 0 : i32
    return %arg0, %c0_i32 : i32, i32
  }
  func.func @transform_1(%arg0: i32, %arg1: memref<88xi32, #tpu.memory_space<smem>>, %arg2: memref<1xi32, #tpu.memory_space<smem>>) -> (i32, i32, i32) {
    %get3A = arith.index_cast %arg0 : i32 to index
    %get3A_0 = memref.load %arg1[%get3A] : memref<88xi32, #tpu.memory_space<smem>>
    %c0_i32 = arith.constant 0 : i32
    %c0_i32_1 = arith.constant 0 : i32
    %c0_i32_2 = arith.constant 0 : i32
    return %get3A_0, %c0_i32, %c0_i32_1 : i32, i32, i32
  }
  func.func @transform_2(%arg0: i32, %arg1: memref<88xi32, #tpu.memory_space<smem>>, %arg2: memref<1xi32, #tpu.memory_space<smem>>) -> (i32, i32, i32) {
    %get3A = arith.index_cast %arg0 : i32 to index
    %get3A_0 = memref.load %arg1[%get3A] : memref<88xi32, #tpu.memory_space<smem>>
    %c0_i32 = arith.constant 0 : i32
    %c0_i32_1 = arith.constant 0 : i32
    %c0_i32_2 = arith.constant 0 : i32
    return %get3A_0, %c0_i32, %c0_i32_1 : i32, i32, i32
  }
  func.func @transform_3(%arg0: i32, %arg1: memref<88xi32, #tpu.memory_space<smem>>, %arg2: memref<1xi32, #tpu.memory_space<smem>>) -> (i32, i32, i32) {
    %get3A = arith.index_cast %arg0 : i32 to index
    %get3A_0 = memref.load %arg1[%get3A] : memref<88xi32, #tpu.memory_space<smem>>
    %c0_i32 = arith.constant 0 : i32
    %c0_i32_1 = arith.constant 0 : i32
    %c0_i32_2 = arith.constant 0 : i32
    return %get3A_0, %c0_i32, %c0_i32_1 : i32, i32, i32
  }
  func.func @transform_4(%arg0: i32, %arg1: memref<88xi32, #tpu.memory_space<smem>>, %arg2: memref<1xi32, #tpu.memory_space<smem>>) -> (i32, i32) {
    %c0_i32 = arith.constant 0 : i32
    %c0_i32_0 = arith.constant 0 : i32
    return %arg0, %c0_i32 : i32, i32
  }
  func.func @transform_5(%arg0: i32, %arg1: memref<88xi32, #tpu.memory_space<smem>>, %arg2: memref<1xi32, #tpu.memory_space<smem>>) -> (i32, i32) {
    %c0_i32 = arith.constant 0 : i32
    %c0_i32_0 = arith.constant 0 : i32
    %c0_i32_1 = arith.constant 0 : i32
    return %c0_i32, %c0_i32_0 : i32, i32
  }
}

</mosaic_0001>

<sc_bundles>
// kernel: kernel.5.cloned.1.call-start
scs
__scs_entry_jumppad:
0x0: {  	(pc) =	sbr.rel $0x88, $3  }
0x1: {  	(tag) =	ssettag $0x0;
	lr =	simm.s32 $0x1  }
0x2: {  	[smem:$0x3F9C] =	sst lr;
	_ =	strace $0xD0000000  }
0x3: {  	_ = 	snop  }
0x4: {  	_ = 	snop  }
0x5: {  	_ = 	snop  }
0x6: {  	_ = 	snop  }
0x7: {  	_ = 	snop  }
__scs_overlays_trampoline_lowered:
0x8: {  	[smem:$0x3FAB] =	sst s0  }
0x9: {  	[smem:$0x3FAC] =	sst s1  }
0xa: {  	[smem:$0x3FAD] =	sst s2  }
0xb: {  	[smem:$0x3FAE] =	sst s3  }
0xc: {  	[smem:$0x3FAF] =	sst s4  }
0xd: {  	[smem:$0x3FB0] =	sst s5  }
0xe: {  	[smem:$0x3FB1] =	sst s6  }
0xf: {  	[smem:$0x3FB2] =	sst s7  }
0x10: {  	[smem:$0x3FB3] =	sst s8  }
0x11: {  	[smem:$0x3FB4] =	sst s9;
	s0 =	simm.s32 @!p0 $0x0  }
0x12: {  	s1 =	sld [smem:$0x3F9A];
	s0 =	simm.s32 @p0 $0x1  }
0x13: {  	[smem:$0x3FB5] =	sst s0;
	s0 =	simm.s32 @!p1 $0x0  }
0x14: {  	s2 =	sld [smem:$0x3F99];
	s0 =	simm.s32 @p1 $0x1  }
0x15: {  	[smem:$0x3FB6] =	sst s0;
	s0 =	simm.s32 @!p2 $0x0  }
0x16: {  	s3 =	sld [smem:$0x3FDB];
	s0 =	simm.s32 @p2 $0x1  }
0x17: {  	s4 =	simm.s32 $0x1BF5;
	[smem:$0x3FB8] =	sst s0  }
0x18: {  	s0 =	sld [smem:$0x3F9B];
	_ =	swait.ge [sflag:s4], $0x0  }
0x19: {  	s7 =	sld [smem:$0x3F9C]  }
0x1a: {  	s8 =	sadd.s32 $0xFFFFE003, lr  }
0x1b: {  	s9 =	sadd.s32 $0xFFFFFEF7, lr;
	s5 =	simm.s32 $0xFFFFFFFF;
	p2 =	slt.u32 s8, $0xFFFFF086  }
0x1c: {  	p1 =	slt.u32 s9, $0xF7A;
	s5 =	simm.s32 @!p2 $0x0  }
0x1d: {  	s5 =	simm.s32 @p1 $0x1;
	p0 =	seq.s32 s7, s2  }
0x1e: {  	s7 =	smul.u32 @!p0 $0xF7A, s2;
	p2 =	seq.s32 @!p0 s5, $0x0  }
0x1f: {  	s9 =	smul.u32 $0xF7A, s1;
	s8 =	simm.s32 @!p0 $0x1BF5;
	p2 =	por !p2, p0  }
0x20: {  	[sflag:s8] =	ssyncset.s32 @!p0 $0xFFFFF086;
	s6 =	sadd.s32 @!p0 s3, s7;
	s7 =	simm.s32 @!p0 $0x108  }
0x21: {  	s3 =	sadd.s32 s3, s9;
	s6 =	sadd.s32 @!p0 $0x88, s6;
	s7 =	simm.s32 @p2 $0x1082  }
0x22: {  	[simem:s7], [sflag:s8] =	dma.local @!p0 [hbm:s6], $0xF7A  }
0x23: {  	s9 =	sor.u32 $0xD0000000, s2;
	s6 =	simm.s32 $0x108;
	_ =	swait.ge @!p0 [sflag:s8], $0x0  }
0x24: {  	s3 =	sadd.s32 $0x88, s3;
	s6 =	simm.s32 @!p1 $0x1082;
	[sflag:s4] =	ssyncset.s32 $0xFFFFF086  }
0x25: {  	[simem:s6], [sflag:s4] =	dma.local [hbm:s3], $0xF7A  }
0x26: {  	[smem:$0x3F9C] =	sst s1;
	(tag) =	ssettag s2;
	_ =	strace s9  }
0x27: {  	s1 =	sld [smem:$0x3FAC]  }
0x28: {  	s2 =	sld [smem:$0x3FAD]  }
0x29: {  	s4 =	sld [smem:$0x3FAF]  }
0x2a: {  	p0 =	seq.s32 s5, $0x0;
	s5 =	sld [smem:$0x3FB0]  }
0x2b: {  	s6 =	sld [smem:$0x3FB1]  }
0x2c: {  	s7 =	sld [smem:$0x3FB2]  }
0x2d: {  	s3 =	simm.s32 $0x108;
	s8 =	sld [smem:$0x3FB3]  }
0x2e: {  	s3 =	simm.s32 @!p0 $0x1082;
	s9 =	sld [smem:$0x3FB4]  }
0x2f: {  	lr =	sadd.s32 s0, s3;
	s0 =	sld [smem:$0x3FAB]  }
0x30: {  	s3 =	sld [smem:$0x3FAE]  }
0x31: {  	[smem:$0x3FB7] =	sst s10  }
0x32: {  	s10 =	sld [smem:$0x3FB5];
	_ =	sdelay $0x3  }
0x33: {  	p0 =	seq.s32 s10, $0x1;
	s10 =	sld [smem:$0x3FB7];
	_ =	sdelay $0x3  }
0x34: {  	[smem:$0x3FB7] =	sst s10  }
0x35: {  	s10 =	sld [smem:$0x3FB6];
	_ =	sdelay $0x3  }
0x36: {  	p1 =	seq.s32 s10, $0x1;
	s10 =	sld [smem:$0x3FB7];
	_ =	sdelay $0x3  }
0x37: {  	[smem:$0x3FB7] =	sst s10  }
0x38: {  	s10 =	sld [smem:$0x3FB8]  }
0x39: {  	_ = 	snop;
	(pc) =	sbr.ind lr, $3  }
0x3a: {  	_ = 	snop  }
0x3b: {  	_ = 	snop  }
0x3c: {  	p2 =	seq.s32 s10, $0x1;
	s10 =	sld [smem:$0x3FB7]  }
0x3d: {  	_ =	shalt  }
0x3e: {  	_ =	shalt  }
0x3f: {  	_ =	shalt  }
0x40: {  	_ =	shalt  }
0x41: {  	_ =	shalt  }
0x42: {  	_ =	shalt  }
0x43: {  	_ =	shalt  }
0x44: {  	_ =	shalt  }
0x45: {  	_ =	shalt  }
0x46: {  	_ =	shalt  }
0x47: {  	_ =	shalt  }
0x48: {  	_ =	shalt  }
0x49: {  	_ =	shalt  }
0x4a: {  	_ =	shalt  }
0x4b: {  	_ =	shalt  }
0x4c: {  	_ =	shalt  }
0x4d: {  	_ =	shalt  }
0x4e: {  	_ =	shalt  }
0x4f: {  	_ =	shalt  }
0x50: {  	_ =	shalt  }
0x51: {  	_ =	shalt  }
0x52: {  	_ =	shalt  }
0x53: {  	_ =	shalt  }
0x54: {  	_ =	shalt  }
0x55: {  	_ =	shalt  }
0x56: {  	_ =	shalt  }
0x57: {  	_ =	shalt  }
0x58: {  	_ =	shalt  }
0x59: {  	_ =	shalt  }
0x5a: {  	_ =	shalt  }
0x5b: {  	_ =	shalt  }
0x5c: {  	_ =	shalt  }
0x5d: {  	_ =	shalt  }
0x5e: {  	_ =	shalt  }
0x5f: {  	_ =	shalt  }
0x60: {  	_ =	shalt  }
0x61: {  	_ =	shalt  }
0x62: {  	_ =	shalt  }
0x63: {  	_ =	shalt  }
0x64: {  	_ =	shalt  }
0x65: {  	_ =	shalt  }
0x66: {  	_ =	shalt  }
0x67: {  	_ =	shalt  }
0x68: {  	_ =	shalt  }
0x69: {  	_ =	shalt  }
0x6a: {  	_ =	shalt  }
0x6b: {  	_ =	shalt  }
0x6c: {  	_ =	shalt  }
0x6d: {  	_ =	shalt  }
0x6e: {  	_ =	shalt  }
0x6f: {  	_ =	shalt  }
0x70: {  	_ =	shalt  }
0x71: {  	_ =	shalt  }
0x72: {  	_ =	shalt  }
0x73: {  	_ =	shalt  }
0x74: {  	_ =	shalt  }
0x75: {  	_ =	shalt  }
0x76: {  	_ =	shalt  }
0x77: {  	_ =	shalt  }
0x78: {  	_ =	shalt  }
0x79: {  	_ =	shalt  }
0x7a: {  	_ =	shalt  }
0x7b: {  	_ =	shalt  }
0x7c: {  	_ =	shalt  }
0x7d: {  	_ =	shalt  }
0x7e: {  	_ =	shalt  }
0x7f: {  	_ =	shalt  }
0x80: {  	_ =	shalt  }
0x81: {  	_ =	shalt  }
0x82: {  	_ =	shalt  }
0x83: {  	_ =	shalt  }
0x84: {  	_ =	shalt  }
0x85: {  	_ =	shalt  }
0x86: {  	_ =	shalt  }
0x87: {  	_ =	shalt  }
.Lfunc_end0:
.L_simem_size_0:
called_computation_lowered:
.L_overlay_start_0:
0x88: {  	s2 =	sld [smem:$0x3FD9]  }
0x89: {  	s3 =	sld [smem:$0x3FFE];
	_ =	sdelay $0x1  }
0x8a: {  	s1 =	srdreg.scid  }
0x8b: {  	s0 =	sand.u32 $0x1, s1  }
0x8c: {  	s17 =	sshll.u32 s0, $0xA;
	s2 =	sadd.s32 s3, s2  }
0x8d: {  	s2 =	sadd.s32 s2, s17  }
0x8e: {  	[smem:$0x3FC3] =	sst s2  }
0x8f: {  	_ = 	snop  }
0x90: {  	s2 =	sld [smem:$0x3FD0];
	(tm) =	ssettm $0x1  }
0x91: {  	s18 =	sld [smem:$0x3FFB];
	_ =	sdelay $0x3  }
0x92: {  	_ =	strace s18  }
0x93: {  	s3 =	sld [smem:$0x3FFC];
	_ =	sdelay $0x3  }
0x94: {  	_ =	strace s3  }
0x95: {  	s3 =	sld [smem:$0x3FFD];
	_ =	sdelay $0x3  }
0x96: {  	_ =	strace s3  }
0x97: {  	_ =	strace $0x8FFFFFFF  }
0x98: {  	s19 =	sld [smem:$0x3FDB];
	_ =	sdelay $0x1  }
0x99: {  	s4 =	simm.s32 $_scs_section_size  }
0x9a: {  	s5 =	simm.s32 $_size__tile_overlayer_lowered;
	s6 =	simm.s32 $_tile_overlayer_lowered  }
0x9b: {  	s22 =	simm.s32 $0x1BFF;
	s21 =	sshll.u32 s6, $0x1;
	s3 =	sadd.s32 s4, s19  }
0x9c: {  	s7 =	simm.s32 $0x0;
	s20 =	sshll.u32 s5, $0x1;
	s5 =	sadd.s32 s21, s3  }
0x9d: {  	[timem:s7], [sflag:s22] =	dma.local [hbm:s5], s20  }
0x9e: {  	_ =	swait.ge [sflag:s22], s20  }
0x9f: {  	s4 =	ssub.s32 $0x0, s20;
	[sflag:s22] =	ssyncset.done $0x0  }
0xa0: {  	[sflag:s22] =	ssyncadd.s32 s4;
	_ =	sdelay $0x1  }
0xa1: {  	s23 =	simm.s32 $0x1B8B  }
0xa2: {  	_ =	swait.ge [sflag:s23], $0x1  }
0xa3: {  	[sflag:s23] =	ssyncset.done $0x0  }
0xa4: {  	s25 =	simm.s32 $0x1B8E;
	s24 =	sld [smem:$0x3FFE];
	[sflag:s23] =	ssyncadd.s32 $0xFFFFFFFF  }
0xa5: {  	s26 =	simm.s32 $execute0_lowered;
	[smem:$0x3FD2] =	sst s25  }
0xa6: {  	s5 =	sshll.u32 s26, $0x1;
	_ =	strace $0x80000046;
	[dreg:$0x1] =	wrdreg $0xFFFFFFFF  }
0xa7: {  	s28 =	simm.s32 $_size_execute0_lowered;
	s3 =	sadd.s32 s3, s5;
	[dreg:$0x0] =	wrdreg $0x0  }
0xa8: {  	s5 =	sshll.u32 s28, $0x1;
	[dreg:$0x2] =	wrdreg s3  }
0xa9: {  	[dreg:$0x3] =	wrdreg s5  }
0xaa: {  	[dreg:$0x4] =	wrdreg $0xC0  }
0xab: {  	_ =	task [dreg:s7], $0x5FFFF  }
0xac: {  	[dreg:$0x1] =	wrdreg $0xFFFFFFFF  }
0xad: {  	[dreg:$0x0] =	wrdreg $0x60  }
0xae: {  	[dreg:$0x2] =	wrdreg s24  }
0xaf: {  	[dreg:$0x3] =	wrdreg s2  }
0xb0: {  	[dreg:$0x4] =	wrdreg $0x9  }
0xb1: {  	_ =	task.clear_ibuf [dreg:s7], $0x5FFFF;
	_ =	strace $0x90000046  }
0xb2: {  	s29 =	simm.s32 $0x9;
	_ =	strace $0x8000004F  }
0xb3: {  	_ =	swait.ge [sflag:s29], $0x1  }
0xb4: {  	[sflag:s29] =	ssyncadd.s32 $0xFFFFFFFF  }
0xb5: {  	_ =	strace $0x9000004F  }
0xb6: {  	_ =	sfence  }
0xb7: {  	s30 =	sld [smem:$0x0];
	_ =	sdelay $0x2  }
0xb8: {  	s31 =	sshll.u32 s1, $0xD;
	s1 =	sshrl.u32 s1, $0x2  }
0xb9: {  	s3 =	sand.u32 $0x4000, s31;
	s1 =	sadd.s32 s1, s30  }
0xba: {  	s0 =	sor.u32 s3, s0;
	s1 =	sshll.u32 s1, $0x11  }
0xbb: {  	s0 =	sor.u32 s1, s0  }
0xbc: {  	s0 =	sadd.s32 $0x8F2B, s0  }
0xbd: {  	[sflag:s0] =	ssyncadd.remote.s32 $0x1  }
0xbe: {  	_ =	sfence.sel $0xFFFF  }
0xbf: {  	[dreg:$0x0] =	wrdreg $0xFFFFFFFF;
	(pc) =	sbr.abs _section_cstart, $3  }
0xc0: {  	[dreg:$0x1] =	wrdreg $0xFFFFFFFF  }
0xc1: {  	_ =	task.clear_ibuf [dreg:s7], $0x2FFFF;
	_ =	strace $0x9FFFFFFF  }
0xc2: {  	(tm) =	ssettm $0x7FFFFFFF  }
0xc3: {  	_ =	shalt  }
tec
execute0_lowered:
.L_overlay_start_1:
0x0: {  	(tag) =	ssettag $0x1  }
0x1: {  	s3 =	rddreg [dreg:$0x0]  }
0x2: {  	s1 =	rddreg [dreg:$0x1]  }
0x3: {  	s0 =	rddreg [dreg:$0x2];
	s2 =	simm.s32 $0x0;
	s30 =	srdreg.scid  }
0x4: {  	s10 =	simm.s32 $0x80;
	[smem:$0x7FF] =	sst s2;
	s4 =	sadd.s32 $0xA00, s3  }
0x5: {  	s3 =	sadd.s32 $0x4E00, s3;
	_ =	strace $0x80000047;
	[dreg:$0x3] =	wrdreg s4  }
0x6: {  	s11 =	simm.s32 $0x0;
	s7 =	sand.u32 $0x1, s30;
	[dreg:$0x5] =	wrdreg s3  }
0x7: {  	s3 =	stileid.u32;
	s7 =	ssub.s32 $0x2, s7;
	[dreg:$0x4] =	wrdreg s10  }
0x8: {  	s10 =	simm.s32 $0x5;
	s6 =	smul.u32 $0x3, s3;
	s5 =	sshll.u32 s3, $0x1  }
0x9: {  	p0 =	slt.u32 s3, $0xC;
	s4 =	sadd.s32 $0xC, s5;
	s5 =	simm.s32 $0x3  }
0xa: {  	s31 =	sshrl.u32 s7, $0x1;
	s4 =	smov.u32 @p0 s6;
	s5 =	simm.s32 @!p0 $0x2  }
0xb: {  	s9 =	ssub.s32 s7, s31;
	s8 =	sshll.u32 s4, $0x4;
	s7 =	sadd.s32 $0xFFFFFFFF, s5  }
0xc: {  	s6 =	sadd.s32 s1, s8;
	s8 =	smax.u32 s9, $0x1;
	s9 =	simm.s32 $0x1  }
.LBB2_1:
0xd: {  	_ =	strace $0x80000048;
	p2 =	sne.s32 s5, $0x1  }
.Ltmp0:
0xe: {  	p0 =	seq.s32 s5, $0x1;
	s13 =	simm.s32 $0x1;
	(pc) =	sbr.rel @!p2 .LBB2_2-.Ltmp0, $4  }
0xf: {  	[tilespmem:s2], [sflag:$0x1] =	stream.linear.gather [hbm4b:s6+s2], $0x80, $0x200038;
	[tilespmem:$0x8100] =	vst v63  }
0x10: {  	s12 =	simm.s32 $0x1;
	p1 =	por $0x1, $0x1;
	s13 =	simm.s32 @p0 $0x0  }
0x11: {  	p6 =	sgt.u32 s7, $0x0;
	p4 =	por p1, p1;
	p3 =	sne.s32 s13, $0x0  }
0x12: {  	_ =	strace $0x90000048;
	p5 =	por !p6, !p3;
	p6 =	por $0x0, $0x0  }
0x13: {  	p2 =	por !p5, !p5  }
0x14: {  	s21 =	sand.u32 $0x1, s2;
	s19 =	simm.s32 $0x2;
	s14 =	sadd.s32 @p2 s4, s13  }
0x15: {  	p1 =	por p3, p3;
	s15 =	sand.u32 @p2 $0x1, s9;
	s14 =	sshll.u32 @p2 s14, $0x4  }
0x16: {  	_ =	strace @p2 $0x80000049;
	s17 =	simm.s32 @p2 $0x0;
	s14 =	sand.u32 @p2 $0x1FFFFFF0, s14  }
0x17: {  	s16 =	sshll.u32 @p2 s15, $0x7;
	s15 =	sadd.s32 @p2 $0x1, s15;
	s14 =	sadd.s32 @p2 s1, s14  }
0x18: {  	[tilespmem:s16], [sflag:s15] =	stream.linear.gather @p2 [hbm4b:s14+s17], $0x80, $0x200038;
	[tilespmem:$0x8100] =	vst v63  }
0x19: {  	s30 =	simm.s32 $0x0;
	p6 =	por $0x0, $0x0;
	_ =	strace @p2 $0x90000049  }
0x1a: {  	p0 =	sne.s32 s5, $0x2;
	s29 =	sadd.s32 $0x1, s21;
	_ =	strace $0x8000004A  }
0x1b: {  	s18 =	sadd.s32 $0x1, s13;
	s24 =	sadd.s32 $0x0, s4;
	_ =	swait.ge [sflag:s29], $0x80  }
0x1c: {  	p5 =	sgt.u32 s7, $0x1;
	p3 =	seq.s32 s18, s5;
	[sflag:s29] =	ssyncset.done $0x0  }
0x1d: {  	s23 =	simm.s32 $0x1;
	s18 =	simm.s32 @p3 $0x0;
	[sflag:s29] =	ssyncadd.s32 $0xFFFFFF80  }
0x1e: {  	s22 =	sshll.u32 s21, $0xE;
	p3 =	sne.s32 s13, s18;
	_ =	strace $0x9000004A  }
0x1f: {  	s22 =	sor.u32 $0x100, s22;
	p5 =	por !p5, !p3;
	_ =	strace $0x8000004B  }
0x20: {  	s16 =	sand.u32 @!p4 $0x1, s2;
	s15 =	simm.s32 $0x1;
	s20 =	rddreg [dreg:$0x4]  }
0x21: {  	s14 =	sand.u32 $0x80, s30;
	s15 =	simm.s32 @!p2 $0x0;
	s31 =	rddreg [dreg:$0x3]  }
0x22: {  	[tilespmem:s22], [sflag:$0x5] =	stream.indirect.gather [hbm4b:s31+s20], $0x80, s14, s20, $0x2000b8;
	[tilespmem:$0x8100] =	vst v63  }
.Ltmp1:
0x23: {  	p2 =	por p4, p4;
	p4 =	por p6, p6;
	(pc) =	sbr.rel @!p0 .LBB2_4-.Ltmp1, $4  }
0x24: {  	p6 =	seq.s32 s7, $0x0;
	s17 =	sadd.s32 $0x1, s15;
	_ =	swait.ge [sflag:s10], $0x4000  }
0x25: {  	p1 =	por p6, p1;
	p6 =	por $0x0, $0x0;
	[sflag:s10] =	ssyncset.done $0x0  }
0x26: {  	s15 =	simm.s32 $0x0;
	s23 =	simm.s32 @!p6 $0x0;
	[sflag:s10] =	ssyncadd.s32 $0xFFFFC000  }
0x27: {  	s14 =	simm.s32 $0x0;
	s20 =	simm.s32 $0x0;
	_ =	strace $0x9000004B  }
.LBB2_5:
0x28: {  	_ =	strace @p1 $0x8000004C;
	s14 =	sadd.s32 s23, s14;
	s23 =	smov.u32 s12  }
0x29: {  	s12 =	smov.u32 s19;
	s19 =	sadd.s32 $0x1, s19;
	p0 =	por p3, p3  }
0x2a: {  	s29 =	sshll.u32 @p1 s24, $0xB;
	s21 =	sadd.s32 @p1 $0x3, s21;
	s25 =	simm.s32 @!p0 $0x0  }
0x2b: {  	s26 =	rddreg [dreg:$0x5];
	s29 =	sand.u32 @p1 $0x1FFFF800, s29;
	s25 =	simm.s32 @p0 $0x1  }
0x2c: {  	s26 =	sadd.s32 @p1 s26, s29;
	s29 =	simm.s32 @p1 $0x0;
	p0 =	sne.s32 s5, s19  }
0x2d: {  	[hbm4b:s26+s29] =	stream.linear.scatter @p1 [tilespmem:s22], [sflag:s21], $0x4000, $0x200038;
	[tilespmem:$0x8100] =	vst v63  }
0x2e: {  	s21 =	sadd.s32 @!p2 $0x3, s16;
	s16 =	simm.s32 @!p0 $0x0  }
0x2f: {  	s28 =	simm.s32 $0x1;
	[smem:$0x7FC] =	sst s25;
	s16 =	simm.s32 @p0 $0x1  }
0x30: {  	s28 =	simm.s32 @!p1 $0x0;
	_ =	strace @p1 $0x9000004C;
	[smem:$0x7FD] =	sst s16  }
0x31: {  	s20 =	sadd.s32 s28, s20;
	p1 =	por !p5, !p5;
	_ =	strace @!p2 $0x8000004D  }
0x32: {  	s25 =	sand.u32 @!p4 $0x1, s14;
	s22 =	sadd.s32 @p1 s4, s18;
	_ =	swait.ge @!p2 [sflag:s21], $0x4000  }
0x33: {  	s16 =	smov.u32 s25;
	s22 =	sshll.u32 @p1 s22, $0x4;
	[sflag:s21] =	ssyncset.done @!p2 $0x0  }
0x34: {  	s25 =	sand.u32 @p1 $0x1, s17;
	s22 =	sand.u32 @p1 $0x1FFFFFF0, s22;
	[sflag:s21] =	ssyncadd.s32 @!p2 $0xFFFFC000  }
0x35: {  	s26 =	sshll.u32 @p1 s25, $0x7;
	s22 =	sadd.s32 @p1 s1, s22;
	_ =	strace @!p2 $0x9000004D  }
0x36: {  	s21 =	sadd.s32 @p1 $0x1, s25;
	s25 =	simm.s32 @p1 $0x0;
	_ =	strace @p1 $0x80000049  }
0x37: {  	[tilespmem:s26], [sflag:s21] =	stream.linear.gather @p1 [hbm4b:s22+s25], $0x80, $0x200038;
	[tilespmem:$0x8100] =	vst v63  }
0x38: {  	s15 =	sadd.s32 s28, s15;
	s28 =	sand.u32 $0x1, s20;
	_ =	strace @p1 $0x90000049  }
0x39: {  	s28 =	sadd.s32 $0x1, s28;
	_ =	strace $0x8000004A  }
0x3a: {  	_ =	swait.ge [sflag:s28], $0x80  }
0x3b: {  	[sflag:s28] =	ssyncset.done $0x0  }
0x3c: {  	s21 =	simm.s32 $0x1;
	[sflag:s28] =	ssyncadd.s32 $0xFFFFFF80  }
0x3d: {  	s21 =	simm.s32 @!p1 $0x0;
	_ =	strace $0x9000004A  }
0x3e: {  	s17 =	sadd.s32 s21, s17;
	s21 =	sand.u32 $0x1, s15;
	_ =	strace $0x8000004B  }
0x3f: {  	s31 =	sshll.u32 s20, $0x7;
	s29 =	sshll.u32 s21, $0xE;
	s25 =	rddreg [dreg:$0x4]  }
0x40: {  	s31 =	sand.u32 $0x80, s31;
	s22 =	sor.u32 $0x100, s29;
	s26 =	rddreg [dreg:$0x3]  }
0x41: {  	[tilespmem:s22], [sflag:$0x5] =	stream.indirect.gather [hbm4b:s26+s25], $0x80, s31, s25, $0x2000b8;
	[tilespmem:$0x8100] =	vst v63  }
0x42: {  	_ =	swait.ge [sflag:s10], $0x4000  }
0x43: {  	[sflag:s10] =	ssyncset.done $0x0  }
0x44: {  	[sflag:s10] =	ssyncadd.s32 $0xFFFFC000  }
0x45: {  	s30 =	sadd.s32 $0x1, s18;
	_ =	strace $0x9000004B  }
0x46: {  	s24 =	sadd.s32 s4, s13;
	s13 =	smov.u32 s18;
	s31 =	sld [smem:$0x7FD]  }
0x47: {  	p0 =	sne.s32 s23, $0x0;
	s18 =	smov.u32 s30;
	p1 =	seq.s32 s30, s5  }
0x48: {  	s18 =	simm.s32 @p1 $0x0;
	p1 =	seq.s32 s7, s23;
	s23 =	simm.s32 $0x1  }
0x49: {  	s23 =	simm.s32 @!p0 $0x0;
	p0 =	seq.s32 s31, $0x1  }
.Ltmp2:
0x4a: {  	s30 =	sld [smem:$0x7FC];
	(pc) =	sbr.rel @p0 .LBB2_5-.Ltmp2, $4  }
0x4b: {  	p3 =	seq.s32 s12, $0x0  }
0x4c: {  	p6 =	por p3, p3;
	p5 =	slt.u32 s12, s7  }
0x4d: {  	p2 =	por p4, p4;
	p3 =	sne.s32 s13, s18;
	p4 =	seq.s32 s30, $0x1  }
0x4e: {  	p5 =	por !p5, !p3;
	p1 =	por p1, p4;
	p4 =	por p6, p6  }
0x4f: {  	p6 =	por $0x1, $0x1  }
.LBB2_7:
0x50: {  	p0 =	por !p1, !p6  }
0x51: {  	s25 =	simm.s32 $0x1;
	_ =	strace @!p0 $0x8000004C;
	s24 =	sshll.u32 @!p0 s24, $0xB  }
0x52: {  	p2 =	por p2, !p6;
	s19 =	rddreg [dreg:$0x5];
	s24 =	sand.u32 @!p0 $0x1FFFF800, s24  }
0x53: {  	s21 =	sadd.s32 @!p0 $0x3, s21;
	s19 =	sadd.s32 @!p0 s19, s24;
	s24 =	simm.s32 @!p0 $0x0  }
0x54: {  	[hbm4b:s19+s24] =	stream.linear.scatter @!p0 [tilespmem:s22], [sflag:s21], $0x4000, $0x200038;
	[tilespmem:$0x8100] =	vst v63  }
0x55: {  	p1 =	por !p5, !p5;
	s25 =	simm.s32 @p0 $0x0;
	_ =	strace @!p0 $0x9000004C  }
0x56: {  	s16 =	sadd.s32 @!p2 $0x3, s16;
	s18 =	sadd.s32 @p1 s4, s18;
	_ =	strace @!p2 $0x8000004D  }
0x57: {  	s17 =	sand.u32 @p1 $0x1, s17;
	s18 =	sshll.u32 @p1 s18, $0x4;
	_ =	swait.ge @!p2 [sflag:s16], $0x4000  }
0x58: {  	s19 =	sadd.s32 @p6 s25, s20;
	s20 =	simm.s32 $0x0;
	[sflag:s16] =	ssyncset.done @!p2 $0x0  }
0x59: {  	s20 =	smov.u32 @p6 s19;
	s19 =	sshll.u32 @p1 s17, $0x7;
	[sflag:s16] =	ssyncadd.s32 @!p2 $0xFFFFC000  }
0x5a: {  	s16 =	sadd.s32 @p1 $0x1, s17;
	s17 =	sand.u32 @p1 $0x1FFFFFF0, s18;
	_ =	strace @!p2 $0x9000004D  }
0x5b: {  	s18 =	simm.s32 @p1 $0x0;
	s17 =	sadd.s32 @p1 s1, s17;
	_ =	strace @p1 $0x80000049  }
0x5c: {  	[tilespmem:s19], [sflag:s16] =	stream.linear.gather @p1 [hbm4b:s17+s18], $0x80, $0x200038;
	[tilespmem:$0x8100] =	vst v63  }
0x5d: {  	s26 =	sand.u32 $0x1, s20;
	_ =	strace @p1 $0x90000049  }
0x5e: {  	s16 =	sadd.s32 $0x1, s26;
	_ =	strace $0x8000004A  }
0x5f: {  	_ =	swait.ge [sflag:s16], $0x80  }
0x60: {  	[sflag:s16] =	ssyncset.done $0x0  }
0x61: {  	s15 =	sadd.s32 @p6 s25, s15;
	[sflag:s16] =	ssyncadd.s32 $0xFFFFFF80;
	s16 =	simm.s32 $0x0  }
0x62: {  	_ =	strace $0x9000004A;
	s16 =	smov.u32 @p6 s15  }
0x63: {  	_ =	strace $0x8000004B;
	s16 =	sand.u32 $0x1, s16  }
0x64: {  	s30 =	sshll.u32 s20, $0x7;
	s28 =	rddreg [dreg:$0x4];
	s31 =	sshll.u32 s16, $0xE  }
0x65: {  	s18 =	sand.u32 $0x80, s30;
	s29 =	rddreg [dreg:$0x3];
	s19 =	sor.u32 $0x100, s31  }
0x66: {  	[tilespmem:s19], [sflag:$0x5] =	stream.indirect.gather [hbm4b:s29+s28], $0x80, s18, s28, $0x2000b8;
	[tilespmem:$0x8100] =	vst v63  }
0x67: {  	_ =	swait.ge [sflag:s10], $0x4000  }
0x68: {  	p3 =	por p3, p3;
	[sflag:s10] =	ssyncset.done $0x0  }
0x69: {  	p5 =	seq.s32 s7, s12;
	s13 =	sadd.s32 s4, s13;
	[sflag:s10] =	ssyncadd.s32 $0xFFFFC000  }
0x6a: {  	s14 =	sadd.s32 @p6 s23, s14;
	p1 =	por p5, p3;
	_ =	strace $0x9000004B  }
0x6b: {  	s17 =	simm.s32 $0x0;
	s13 =	sshll.u32 @p1 s13, $0xB;
	_ =	strace @p1 $0x8000004C  }
0x6c: {  	s17 =	smov.u32 @p6 s14;
	s13 =	sand.u32 @p1 $0x1FFFF800, s13;
	s15 =	rddreg [dreg:$0x5]  }
0x6d: {  	s14 =	sadd.s32 @p1 $0x3, s16;
	s13 =	sadd.s32 @p1 s15, s13;
	s15 =	simm.s32 @p1 $0x0  }
0x6e: {  	[hbm4b:s13+s15] =	stream.linear.scatter @p1 [tilespmem:s19], [sflag:s14], $0x4000, $0x200038;
	[tilespmem:$0x8100] =	vst v63  }
0x6f: {  	p0 =	por p4, p4;
	s13 =	sand.u32 @!p4 $0x1, s17;
	_ =	strace @p1 $0x9000004C  }
0x70: {  	s13 =	sadd.s32 @!p0 $0x3, s13;
	_ =	strace @!p0 $0x8000004D  }
0x71: {  	p1 =	sne.s32 s12, $0x0;
	s12 =	simm.s32 $0x1;
	_ =	swait.ge @!p0 [sflag:s13], $0x4000  }
0x72: {  	s12 =	simm.s32 @!p1 $0x0;
	[sflag:s13] =	ssyncset.done @!p0 $0x0  }
0x73: {  	s11 =	sadd.s32 $0x1, s11;
	s12 =	sadd.s32 s12, s17;
	[sflag:s13] =	ssyncadd.s32 @!p0 $0xFFFFC000  }
0x74: {  	s12 =	sand.u32 $0x1, s12;
	_ =	strace @!p0 $0x9000004D;
	p0 =	sne.s32 s11, s8  }
.Ltmp3:
0x75: {  	s12 =	sadd.s32 $0x3, s12;
	_ =	strace $0x8000004E;
	(pc) =	sbr.rel @p0 .LBB2_1-.Ltmp3, $4  }
.Ltmp4:
0x76: {  	_ =	swait.ge [sflag:s12], $0x4000;
	(pc) =	sbr.rel @!p0 .LBB2_8-.Ltmp4, $4  }
0x77: {  	[sflag:s12] =	ssyncset.done $0x0  }
0x78: {  	[sflag:s12] =	ssyncadd.s32 $0xFFFFC000  }
0x79: {  	_ =	strace $0x9000004E  }
0x7a: {  	_ = 	snop  }
.LBB2_2:
.Ltmp5:
0x7b: {  	(pc) =	sbr.rel .LBB2_7-.Ltmp5, $4  }
0x7c: {  	_ = 	snop  }
0x7d: {  	s14 =	simm.s32 $0x0  }
0x7e: {  	s12 =	simm.s32 $0x0;
	s15 =	simm.s32 $0x0;
	s18 =	smov.u32 s13  }
0x7f: {  	s20 =	simm.s32 $0x0;
	s17 =	simm.s32 $0x1;
	s13 =	simm.s32 $0x0  }
.LBB2_4:
.Ltmp6:
0x80: {  	(pc) =	sbr.rel .LBB2_7-.Ltmp6, $3  }
0x81: {  	_ =	sdelay $0x1  }
0x82: {  	s14 =	simm.s32 $0x0  }
0x83: {  	s15 =	simm.s32 $0x0;
	s20 =	simm.s32 $0x0;
	p6 =	por $0x1, $0x1  }
.LBB2_8:
0x84: {  	_ =	sfence.sel $0x180000  }
0x85: {  	[bflag:$0x0] =	sbarrier.arrive $0xFFFF  }
0x86: {  	p0 =	sne.s32 s3, $0x0;
	_ =	strace $0x90000047  }
0x87: {  	s0 =	sadd.s32 @!p0 $0x100000, s0;
	[bflag:$0x2] =	sbarrier.arrive $0xFFFF  }
0x88: {  	[sflag:s0] =	ssyncadd.tile.s32 @!p0 $0x1;
	_ =	shalt  }
.Lfunc_end2:
_tile_overlayer_lowered:
.L_overlay_start_2:
0x89: {  	(tag) =	ssettag $0x2  }
0x8a: {  	s0 =	rddreg [dreg:$0x0];
	s2 =	stileid.u32  }
0x8b: {  	s1 =	rddreg [dreg:$0x1];
	p0 =	sne.s32 s2, $0x0  }
0x8c: {  	s3 =	rddreg [dreg:$0x2];
	[bflag:$0x3] =	sbarrier.arrive $0xFFFF;
	s2 =	simm.s32 @!p0 $0x1C01  }
0x8d: {  	[timem:s3], [sflag:s2] =	dma.local @!p0 [hbm:s0], s1  }
0x8e: {  	s0 =	simm.s32 @!p0 $0x1  }
0x8f: {  	_ =	swait.ge @!p0 [sflag:s0], s1  }
0x90: {  	s1 =	ssub.s32 @!p0 $0x0, s1;
	[sflag:s0] =	ssyncset.done @!p0 $0x0  }
0x91: {  	[sflag:s0] =	ssyncadd.s32 @!p0 s1  }
0x92: {  	[bflag:$0x3] =	sbarrier.arrive $0xFFFF  }
0x93: {  	_ =	shalt  }

</sc_bundles>
